<compile_context>
chip_gen: v7x
topology: tpu7x:2x2x1
jax: 0.10.2.dev20260603
libtpu: 0.0.44.dev20260713+nightly
codegen_flags: <defaults>
</compile_context>

<pallas_src>
import functools

import jax
import jax.numpy as jnp
from jax import lax
from jax.experimental import pallas as pl
from jax.experimental.pallas import tpu as pltpu
from jax.experimental.pallas import tpu_sc as plsc

NC = 2
NS = 16
L = 16
K = 128
DEXT_PAD = 16


def _prep_body(x_ref, w_ref, att2_ref, hext_ref, a2_ref):
    dout = w_ref.shape[1]
    h = jnp.dot(x_ref[...], w_ref[...], preferred_element_type=jnp.float32)
    hext_ref[:, :dout] = h
    hext_ref[:, dout:] = jnp.ones(
        (hext_ref.shape[0], hext_ref.shape[1] - dout), jnp.float32)
    a2_ref[...] = jnp.dot(h, att2_ref[...], preferred_element_type=jnp.float32)


def _fin_body(p_ref, o_ref):
    n, dout = o_ref.shape
    s = p_ref[0] + p_ref[1]
    o_ref[...] = s[:n, :dout] / s[:n, dout:dout + 1]


def _make_sc_kernel(npad, dext, n_chunks):
    t_edges = n_chunks * K
    rows_per_sub = npad // NS
    mesh = plsc.VectorSubcoreMesh(
        core_axis_name="c", subcore_axis_name="s",
        num_cores=NC, num_subcores=NS)

    @functools.partial(
        pl.kernel,
        out_type=jax.ShapeDtypeStruct((NC, npad, dext), jnp.float32),
        mesh=mesh,
        compiler_params=pltpu.CompilerParams(
            needs_layout_passes=False, use_tc_tiling_on_sc=False),
        scratch_types=[
            pltpu.VMEM((npad,), jnp.float32),
            pltpu.VMEM((npad,), jnp.float32),
            pltpu.VMEM((K,), jnp.int32),
            pltpu.VMEM((K,), jnp.int32),
            pltpu.VMEM((K,), jnp.float32),
            pltpu.VMEM((K, dext), jnp.float32),
            pltpu.VMEM_SHARED((npad, dext), jnp.float32),
            pltpu.SemaphoreType.DMA,
        ],
    )
    def sc_kernel(hext_hbm, asrc_hbm, adst_hbm, srcp_hbm, dstp_hbm, out_hbm,
                  asv, adv, src_v, dst_v, w_v, rows_v, acc_sh, sem):
        cid = lax.axis_index("c")
        sid = lax.axis_index("s")
        wid = sid * NC + cid

        pltpu.sync_copy(asrc_hbm, asv)
        pltpu.sync_copy(adst_hbm, adv)

        def _zero_body(i, _):
            k = i // (dext // L)
            j = i % (dext // L)
            rows_v[k, pl.ds(j * L, L)] = jnp.zeros((L,), jnp.float32)
            return 0
        lax.fori_loop(0, K * (dext // L), _zero_body, 0)

        def _zacc_body(i, _):
            pltpu.sync_copy(
                rows_v, acc_sh.at[pl.ds(sid * rows_per_sub + i * K, K)])
            return 0
        lax.fori_loop(0, rows_per_sub // K, _zacc_body, 0)
        rem = rows_per_sub % K
        if rem:
            pltpu.sync_copy(
                rows_v.at[pl.ds(0, rem)],
                acc_sh.at[pl.ds(sid * rows_per_sub + (rows_per_sub // K) * K,
                                rem)])
        plsc.subcore_barrier()

        def _chunk_body(c, _):
            base = wid * t_edges + c * K
            pltpu.sync_copy(srcp_hbm.at[pl.ds(base, K)], src_v)
            pltpu.sync_copy(dstp_hbm.at[pl.ds(base, K)], dst_v)
            cp = pltpu.async_copy(hext_hbm.at[src_v], rows_v, sem)
            for i in range(K // L):
                s16 = src_v[pl.ds(i * L, L)]
                d16 = dst_v[pl.ds(i * L, L)]
                e16 = (plsc.load_gather(asv, [s16])
                       + plsc.load_gather(adv, [d16]))
                e16 = jnp.maximum(e16, 0.2 * e16)
                w_v[pl.ds(i * L, L)] = jnp.exp(e16)
            cp.wait()

            def _scale_body(k, _):
                wk16 = plsc.load_gather(
                    w_v, [jnp.broadcast_to(k, (L,)).astype(jnp.int32)])
                for j in range(dext // L):
                    sl = pl.ds(j * L, L)
                    rows_v[k, sl] = rows_v[k, sl] * wk16
                return 0
            lax.fori_loop(0, K, _scale_body, 0)
            pltpu.sync_copy(rows_v, acc_sh.at[dst_v], add=True)
            return 0
        lax.fori_loop(0, n_chunks, _chunk_body, 0)
        plsc.subcore_barrier()

        r0 = sid * rows_per_sub
        pltpu.sync_copy(acc_sh.at[pl.ds(r0, rows_per_sub)],
                        out_hbm.at[cid, pl.ds(r0, rows_per_sub)])

    return sc_kernel


def kernel(node_feature, edge_index, W, att_src, att_dst):
    n, din = node_feature.shape
    dout = W.shape[1]
    dext = dout + DEXT_PAD
    npad = ((n + 1 + 15) // 16) * 16
    e_total = edge_index.shape[1] + n
    n_chunks = -(-e_total // (NC * NS * K))
    ep = NC * NS * K * n_chunks

    loop = jnp.arange(n, dtype=jnp.int32)
    src = jnp.concatenate([edge_index[0].astype(jnp.int32), loop])
    dst = jnp.concatenate([edge_index[1].astype(jnp.int32), loop])
    src_p = jnp.pad(src, (0, ep - e_total), constant_values=n)
    dst_p = jnp.pad(dst, (0, ep - e_total), constant_values=n)
    x_pad = jnp.pad(node_feature, ((0, npad - n), (0, 0)))
    att2 = jnp.stack([att_src, att_dst], axis=1)

    hext, a2 = pl.pallas_call(
        _prep_body,
        out_shape=[
            jax.ShapeDtypeStruct((npad, dext), jnp.float32),
            jax.ShapeDtypeStruct((npad, 2), jnp.float32),
        ],
    )(x_pad, W, att2)

    a_src_t = a2[:, 0]
    a_dst_t = a2[:, 1]

    partial = _make_sc_kernel(npad, dext, n_chunks)(
        hext, a_src_t, a_dst_t, src_p, dst_p)

    return pl.pallas_call(
        _fin_body,
        out_shape=jax.ShapeDtypeStruct((n, dout), jnp.float32),
    )(partial)

# --- scband reference (transcript-rebuilt; emitter-appended) ---
"""Pipeline reference for scband-gatconv-19731079758622 (READ-ONLY COPY).

The authoritative reference and input builder live on the scoring server;
editing this copy changes nothing except your own understanding.
"""

import jax, jax.numpy as jnp
import numpy as np

DIM_IN = 128
DIM_OUT = 128
N_NODES = 10000
N_EDGES = 320000


def setup_inputs(seed: int = 0) -> dict:
    key = jax.random.key(seed)
    k1, k2, k3, k4, k5 = jax.random.split(key, 5)
    x = jax.random.normal(k1, (N_NODES, DIM_IN), dtype=jnp.float32)
    edge_index = jax.random.randint(k2, (2, N_EDGES), 0, N_NODES, dtype=jnp.int64)
    # PyG GATConv params (heads=1, bias=False): lin weight + attention vectors
    glorot = float(np.sqrt(6.0 / (DIM_IN + DIM_OUT)))
    W = jax.random.uniform(k3, (DIM_IN, DIM_OUT), dtype=jnp.float32, minval=-glorot, maxval=glorot)
    g2 = float(np.sqrt(6.0 / (1 + DIM_OUT)))
    att_src = jax.random.uniform(k4, (DIM_OUT,), dtype=jnp.float32, minval=-g2, maxval=g2)
    att_dst = jax.random.uniform(k5, (DIM_OUT,), dtype=jnp.float32, minval=-g2, maxval=g2)
    return {"node_feature": x, "edge_index": edge_index, "W": W, "att_src": att_src, "att_dst": att_dst}


def reference(node_feature, edge_index, W, att_src, att_dst):
    N = node_feature.shape[0]
    # PyG GATConv default: add self-loops
    loop = jnp.arange(N, dtype=edge_index.dtype)
    src = jnp.concatenate([edge_index[0], loop])
    dst = jnp.concatenate([edge_index[1], loop])
    h = node_feature @ W  # [N, dim_out]
    a_src = jnp.sum(h * att_src, axis=-1)  # [N]
    a_dst = jnp.sum(h * att_dst, axis=-1)  # [N]
    e = a_src[src] + a_dst[dst]  # [E+N]
    e = jax.nn.leaky_relu(e, negative_slope=0.2)
    # softmax over incoming edges per destination node
    e_max = jax.ops.segment_max(e, dst, num_segments=N)
    e_exp = jnp.exp(e - e_max[dst])
    denom = jax.ops.segment_sum(e_exp, dst, num_segments=N)
    alpha = e_exp / denom[dst]
    out = jax.ops.segment_sum(h[src] * alpha[:, None], dst, num_segments=N)
    return out

if __name__ == "__main__":
    import jax
    _d = setup_inputs()
    print(jax.jit(kernel)(*tuple(_d.values())))

</pallas_src>

<mosaic_0001>
#map = affine_map<(d0, d1) -> (0, 0)>
#map1 = affine_map<(d0, d1) -> (0)>
#map2 = affine_map<(d0, d1) -> (0, 0, 0)>
module attributes {stable_mosaic.version = 14 : i64} {
  func.func @sc_kernel(%arg0: i32, %arg1: i32, %arg2: memref<10016x144xf32, #tpu.memory_space<hbm>>, %arg3: memref<10016xf32, #tpu.memory_space<hbm>>, %arg4: memref<10016xf32, #tpu.memory_space<hbm>>, %arg5: memref<331776xi32, #tpu.memory_space<hbm>>, %arg6: memref<331776xi32, #tpu.memory_space<hbm>>, %arg7: memref<2x10016x144xf32, #tpu.memory_space<hbm>>, %arg8: memref<10016xf32, #tpu.memory_space<vmem>>, %arg9: memref<10016xf32, #tpu.memory_space<vmem>>, %arg10: memref<128xi32, #tpu.memory_space<vmem>>, %arg11: memref<128xi32, #tpu.memory_space<vmem>>, %arg12: memref<128xf32, #tpu.memory_space<vmem>>, %arg13: memref<128x144xf32, #tpu.memory_space<vmem>>, %arg14: memref<10016x144xf32, #tpu.memory_space<vmem_shared>>, %arg15: memref<!tpu.dma_semaphore, #tpu.memory_space<semaphore_mem>>) attributes {dimension_semantics = [#tpu.dimension_semantics<core_parallel>, #tpu.dimension_semantics<subcore_parallel>], iteration_bounds = array<i64: 2, 16>, scalar_prefetch = 0 : i64, scratch_operands = 8 : i64, tpu.core_type = #tpu.core_type<sc_vector_subcore>, window_params = [{transform_indices = #map}, {transform_indices = #map1}, {transform_indices = #map1}, {transform_indices = #map1}, {transform_indices = #map1}, {transform_indices = #map2}]} {
    %mul3A = arith.constant 2 : i32
    %mul3A_0 = arith.muli %arg1, %mul3A : i32
    %add3A = arith.addi %mul3A_0, %arg0 : i32
    "tpu.region"() ({
      %run_scoped3A = tpu.sem_alloc : memref<!tpu.dma_semaphore, #tpu.memory_space<semaphore_mem>>
      tpu.enqueue_dma source(%arg3 : memref<10016xf32, #tpu.memory_space<hbm>>) target(%arg8 : memref<10016xf32, #tpu.memory_space<vmem>>) target_semaphore(%run_scoped3A : memref<!tpu.dma_semaphore, #tpu.memory_space<semaphore_mem>>)
      tpu.wait_dma2 semaphore(%run_scoped3A : memref<!tpu.dma_semaphore, #tpu.memory_space<semaphore_mem>>) src(%arg3 : memref<10016xf32, #tpu.memory_space<hbm>>) dst(%arg8 : memref<10016xf32, #tpu.memory_space<vmem>>)
      tpu.yield
    }) : () -> ()
    "tpu.region"() ({
      %run_scoped3A = tpu.sem_alloc : memref<!tpu.dma_semaphore, #tpu.memory_space<semaphore_mem>>
      tpu.enqueue_dma source(%arg4 : memref<10016xf32, #tpu.memory_space<hbm>>) target(%arg9 : memref<10016xf32, #tpu.memory_space<vmem>>) target_semaphore(%run_scoped3A : memref<!tpu.dma_semaphore, #tpu.memory_space<semaphore_mem>>)
      tpu.wait_dma2 semaphore(%run_scoped3A : memref<!tpu.dma_semaphore, #tpu.memory_space<semaphore_mem>>) src(%arg4 : memref<10016xf32, #tpu.memory_space<hbm>>) dst(%arg9 : memref<10016xf32, #tpu.memory_space<vmem>>)
      tpu.yield
    }) : () -> ()
    %scan3A = arith.constant 0 : i32
    %scan3A_1 = arith.constant 0 : i32
    %scan3A_2 = arith.constant 1152 : i32
    %scan3A_3 = arith.addi %scan3A_1, %scan3A_2 : i32
    %scan3A_4 = arith.constant 1 : i32
    %scan3A_5 = scf.for %scan3A_28 = %scan3A_1 to %scan3A_3 step %scan3A_4 iter_args(%scan3A_29 = %scan3A) -> (i32)  : i32 {
      %jit3A = arith.constant 9 : i32
      %div3A = arith.divsi %scan3A_28, %jit3A : i32
      %sign3A = arith.constant 0 : i32
      %sign3A_30 = arith.cmpi sgt, %scan3A_28, %sign3A : i32
      %sign3A_31 = arith.extui %sign3A_30 : i1 to i32
      %sign3A_32 = arith.constant 0 : i32
      %sign3A_33 = arith.cmpi slt, %scan3A_28, %sign3A_32 : i32
      %sign3A_34 = arith.extui %sign3A_33 : i1 to i32
      %sign3A_35 = arith.subi %sign3A_31, %sign3A_34 : i32
      %sign3A_36 = arith.constant 0 : i32
      %sign3A_37 = arith.cmpi sgt, %jit3A, %sign3A_36 : i32
      %sign3A_38 = arith.extui %sign3A_37 : i1 to i32
      %sign3A_39 = arith.constant 0 : i32
      %sign3A_40 = arith.cmpi slt, %jit3A, %sign3A_39 : i32
      %sign3A_41 = arith.extui %sign3A_40 : i1 to i32
      %sign3A_42 = arith.subi %sign3A_38, %sign3A_41 : i32
      %ne3A = arith.cmpi ne, %sign3A_35, %sign3A_42 : i32
      %rem3A = arith.remsi %scan3A_28, %jit3A : i32
      %ne3A_43 = arith.constant 0 : i32
      %ne3A_44 = arith.cmpi ne, %rem3A, %ne3A_43 : i32
      %and3A = arith.andi %ne3A, %ne3A_44 : i1
      %sub3A = arith.constant 1 : i32
      %sub3A_45 = arith.subi %div3A, %sub3A : i32
      %select_n3A = arith.select %and3A, %sub3A_45, %div3A : i32
      %jit3A_46 = arith.constant 9 : i32
      %eq3A = arith.constant 0 : i32
      %eq3A_47 = arith.cmpi eq, %jit3A_46, %eq3A : i32
      %jit3A_48 = arith.constant 1 : i32
      %select_n3A_49 = arith.select %eq3A_47, %jit3A_48, %jit3A_46 : i32
      %rem3A_50 = arith.remsi %scan3A_28, %select_n3A_49 : i32
      %ne3A_51 = arith.constant 0 : i32
      %ne3A_52 = arith.cmpi ne, %rem3A_50, %ne3A_51 : i32
      %lt3A = arith.constant 0 : i32
      %lt3A_53 = arith.cmpi slt, %rem3A_50, %lt3A : i32
      %lt3A_54 = arith.constant 0 : i32
      %lt3A_55 = arith.cmpi slt, %select_n3A_49, %lt3A_54 : i32
      %ne3A_56 = arith.xori %lt3A_53, %lt3A_55 : i1
      %and3A_57 = arith.andi %ne3A_56, %ne3A_52 : i1
      %add3A_58 = arith.addi %rem3A_50, %select_n3A_49 : i32
      %select_n3A_59 = arith.select %and3A_57, %add3A_58, %rem3A_50 : i32
      %broadcast_in_dim3A = arith.constant 0.000000e+00 : f32
      %broadcast_in_dim3A_60 = vector.broadcast %broadcast_in_dim3A : f32 to vector<16xf32>
      %mul3A_61 = arith.constant 16 : i32
      %mul3A_62 = arith.muli %select_n3A_59, %mul3A_61 : i32
      %swap3A = arith.index_cast %select_n3A : i32 to index
      %swap3A_63 = arith.index_cast %mul3A_62 : i32 to index
      %swap3A_64 = tpu.vector_load %arg13[%swap3A, %swap3A_63] {strides = array<i32>} : memref<128x144xf32, #tpu.memory_space<vmem>>, vector<16xf32>,
      tpu.vector_store %arg13[%swap3A, %swap3A_63], %broadcast_in_dim3A_60 {strides = array<i32>} : memref<128x144xf32, #tpu.memory_space<vmem>>, vector<16xf32>,
      %scan3A_65 = arith.constant 0 : i32
      scf.yield %scan3A_65 : i32
    }
    %scan3A_6 = arith.constant 1152 : i32
    %scan3A_7 = arith.constant 0 : i32
    %scan3A_8 = arith.constant 0 : i32
    %scan3A_9 = arith.constant 4 : i32
    %scan3A_10 = arith.addi %scan3A_8, %scan3A_9 : i32
    %scan3A_11 = arith.constant 1 : i32
    %scan3A_12 = scf.for %scan3A_28 = %scan3A_8 to %scan3A_10 step %scan3A_11 iter_args(%scan3A_29 = %scan3A_7) -> (i32)  : i32 {
      %mul3A_30 = arith.constant 626 : i32
      %mul3A_31 = arith.muli %arg1, %mul3A_30 : i32
      %mul3A_32 = arith.constant 128 : i32
      %mul3A_33 = arith.muli %scan3A_28, %mul3A_32 : i32
      %add3A_34 = arith.addi %mul3A_31, %mul3A_33 : i32
      "tpu.region"() ({
        %run_scoped3A = tpu.sem_alloc : memref<!tpu.dma_semaphore, #tpu.memory_space<semaphore_mem>>
        %dma_start3A = arith.constant 0 : i32
        %dma_start3A_36 = tpu.memref_slice %arg14[%add3A_34, %dma_start3A] : memref<10016x144xf32, #tpu.memory_space<vmem_shared>> -> memref<128x144xf32, #tpu.memory_space<vmem_shared>>
        %dma_start3A_37 = arith.constant 0 : i32
        %dma_start3A_38 = tpu.memref_slice %arg14[%add3A_34, %dma_start3A_37] : memref<10016x144xf32, #tpu.memory_space<vmem_shared>> -> memref<128x144xf32, #tpu.memory_space<vmem_shared>>
        tpu.enqueue_dma source(%arg13 : memref<128x144xf32, #tpu.memory_space<vmem>>) target(%dma_start3A_38 : memref<128x144xf32, #tpu.memory_space<vmem_shared>>) target_semaphore(%run_scoped3A : memref<!tpu.dma_semaphore, #tpu.memory_space<semaphore_mem>>)
        %dma_wait3A = arith.constant 0 : i32
        %dma_wait3A_39 = tpu.memref_slice %arg14[%add3A_34, %dma_wait3A] : memref<10016x144xf32, #tpu.memory_space<vmem_shared>> -> memref<128x144xf32, #tpu.memory_space<vmem_shared>>
        %dma_wait3A_40 = arith.constant 0 : i32
        %dma_wait3A_41 = tpu.memref_slice %arg14[%add3A_34, %dma_wait3A_40] : memref<10016x144xf32, #tpu.memory_space<vmem_shared>> -> memref<128x144xf32, #tpu.memory_space<vmem_shared>>
        tpu.wait_dma2 semaphore(%run_scoped3A : memref<!tpu.dma_semaphore, #tpu.memory_space<semaphore_mem>>) src(%arg13 : memref<128x144xf32, #tpu.memory_space<vmem>>) dst(%dma_wait3A_41 : memref<128x144xf32, #tpu.memory_space<vmem_shared>>)
        tpu.yield
      }) : () -> ()
      %scan3A_35 = arith.constant 0 : i32
      scf.yield %scan3A_35 : i32
    }
    %scan3A_13 = arith.constant 4 : i32
    %mul3A_14 = arith.constant 626 : i32
    %mul3A_15 = arith.muli %arg1, %mul3A_14 : i32
    %add3A_16 = arith.constant 512 : i32
    %add3A_17 = arith.addi %mul3A_15, %add3A_16 : i32
    "tpu.region"() ({
      %run_scoped3A = tpu.sem_alloc : memref<!tpu.dma_semaphore, #tpu.memory_space<semaphore_mem>>
      %dma_start3A = arith.constant 0 : i32
      %dma_start3A_28 = arith.constant 0 : i32
      %dma_start3A_29 = tpu.memref_slice %arg13[%dma_start3A, %dma_start3A_28] : memref<128x144xf32, #tpu.memory_space<vmem>> -> memref<114x144xf32, #tpu.memory_space<vmem>>
      %dma_start3A_30 = arith.constant 0 : i32
      %dma_start3A_31 = tpu.memref_slice %arg14[%add3A_17, %dma_start3A_30] : memref<10016x144xf32, #tpu.memory_space<vmem_shared>> -> memref<114x144xf32, #tpu.memory_space<vmem_shared>>
      %dma_start3A_32 = arith.constant 0 : i32
      %dma_start3A_33 = tpu.memref_slice %arg14[%add3A_17, %dma_start3A_32] : memref<10016x144xf32, #tpu.memory_space<vmem_shared>> -> memref<114x144xf32, #tpu.memory_space<vmem_shared>>
      %dma_start3A_34 = arith.constant 0 : i32
      %dma_start3A_35 = arith.constant 0 : i32
      %dma_start3A_36 = tpu.memref_slice %arg13[%dma_start3A_34, %dma_start3A_35] : memref<128x144xf32, #tpu.memory_space<vmem>> -> memref<114x144xf32, #tpu.memory_space<vmem>>
      tpu.enqueue_dma source(%dma_start3A_36 : memref<114x144xf32, #tpu.memory_space<vmem>>) target(%dma_start3A_33 : memref<114x144xf32, #tpu.memory_space<vmem_shared>>) target_semaphore(%run_scoped3A : memref<!tpu.dma_semaphore, #tpu.memory_space<semaphore_mem>>)
      %dma_wait3A = arith.constant 0 : i32
      %dma_wait3A_37 = arith.constant 0 : i32
      %dma_wait3A_38 = tpu.memref_slice %arg13[%dma_wait3A, %dma_wait3A_37] : memref<128x144xf32, #tpu.memory_space<vmem>> -> memref<114x144xf32, #tpu.memory_space<vmem>>
      %dma_wait3A_39 = arith.constant 0 : i32
      %dma_wait3A_40 = tpu.memref_slice %arg14[%add3A_17, %dma_wait3A_39] : memref<10016x144xf32, #tpu.memory_space<vmem_shared>> -> memref<114x144xf32, #tpu.memory_space<vmem_shared>>
      %dma_wait3A_41 = arith.constant 0 : i32
      %dma_wait3A_42 = tpu.memref_slice %arg14[%add3A_17, %dma_wait3A_41] : memref<10016x144xf32, #tpu.memory_space<vmem_shared>> -> memref<114x144xf32, #tpu.memory_space<vmem_shared>>
      %dma_wait3A_43 = arith.constant 0 : i32
      %dma_wait3A_44 = arith.constant 0 : i32
      %dma_wait3A_45 = tpu.memref_slice %arg13[%dma_wait3A_43, %dma_wait3A_44] : memref<128x144xf32, #tpu.memory_space<vmem>> -> memref<114x144xf32, #tpu.memory_space<vmem>>
      tpu.wait_dma2 semaphore(%run_scoped3A : memref<!tpu.dma_semaphore, #tpu.memory_space<semaphore_mem>>) src(%dma_wait3A_45 : memref<114x144xf32, #tpu.memory_space<vmem>>) dst(%dma_wait3A_42 : memref<114x144xf32, #tpu.memory_space<vmem_shared>>)
      tpu.yield
    }) : () -> ()
    %barrier3A = arith.constant 0 : index
    tpu.barrier barrier_id(%barrier3A)
    %scan3A_18 = arith.constant 0 : i32
    %scan3A_19 = arith.constant 0 : i32
    %scan3A_20 = arith.constant 81 : i32
    %scan3A_21 = arith.addi %scan3A_19, %scan3A_20 : i32
    %scan3A_22 = arith.constant 1 : i32
    %scan3A_23 = scf.for %scan3A_28 = %scan3A_19 to %scan3A_21 step %scan3A_22 iter_args(%scan3A_29 = %scan3A_18) -> (i32)  : i32 {
      %mul3A_30 = arith.constant 10368 : i32
      %mul3A_31 = arith.muli %add3A, %mul3A_30 : i32
      %mul3A_32 = arith.constant 128 : i32
      %mul3A_33 = arith.muli %scan3A_28, %mul3A_32 : i32
      %add3A_34 = arith.addi %mul3A_31, %mul3A_33 : i32
      "tpu.region"() ({
        %run_scoped3A = tpu.sem_alloc : memref<!tpu.dma_semaphore, #tpu.memory_space<semaphore_mem>>
        %dma_start3A_154 = tpu.memref_slice %arg5[%add3A_34] : memref<331776xi32, #tpu.memory_space<hbm>> -> memref<128xi32, #tpu.memory_space<hbm>>
        %dma_start3A_155 = tpu.memref_slice %arg5[%add3A_34] : memref<331776xi32, #tpu.memory_space<hbm>> -> memref<128xi32, #tpu.memory_space<hbm>>
        tpu.enqueue_dma source(%dma_start3A_155 : memref<128xi32, #tpu.memory_space<hbm>>) target(%arg10 : memref<128xi32, #tpu.memory_space<vmem>>) target_semaphore(%run_scoped3A : memref<!tpu.dma_semaphore, #tpu.memory_space<semaphore_mem>>)
        %dma_wait3A_156 = tpu.memref_slice %arg5[%add3A_34] : memref<331776xi32, #tpu.memory_space<hbm>> -> memref<128xi32, #tpu.memory_space<hbm>>
        %dma_wait3A_157 = tpu.memref_slice %arg5[%add3A_34] : memref<331776xi32, #tpu.memory_space<hbm>> -> memref<128xi32, #tpu.memory_space<hbm>>
        tpu.wait_dma2 semaphore(%run_scoped3A : memref<!tpu.dma_semaphore, #tpu.memory_space<semaphore_mem>>) src(%dma_wait3A_157 : memref<128xi32, #tpu.memory_space<hbm>>) dst(%arg10 : memref<128xi32, #tpu.memory_space<vmem>>)
        tpu.yield
      }) : () -> ()
      "tpu.region"() ({
        %run_scoped3A = tpu.sem_alloc : memref<!tpu.dma_semaphore, #tpu.memory_space<semaphore_mem>>
        %dma_start3A_154 = tpu.memref_slice %arg6[%add3A_34] : memref<331776xi32, #tpu.memory_space<hbm>> -> memref<128xi32, #tpu.memory_space<hbm>>
        %dma_start3A_155 = tpu.memref_slice %arg6[%add3A_34] : memref<331776xi32, #tpu.memory_space<hbm>> -> memref<128xi32, #tpu.memory_space<hbm>>
        tpu.enqueue_dma source(%dma_start3A_155 : memref<128xi32, #tpu.memory_space<hbm>>) target(%arg11 : memref<128xi32, #tpu.memory_space<vmem>>) target_semaphore(%run_scoped3A : memref<!tpu.dma_semaphore, #tpu.memory_space<semaphore_mem>>)
        %dma_wait3A_156 = tpu.memref_slice %arg6[%add3A_34] : memref<331776xi32, #tpu.memory_space<hbm>> -> memref<128xi32, #tpu.memory_space<hbm>>
        %dma_wait3A_157 = tpu.memref_slice %arg6[%add3A_34] : memref<331776xi32, #tpu.memory_space<hbm>> -> memref<128xi32, #tpu.memory_space<hbm>>
        tpu.wait_dma2 semaphore(%run_scoped3A : memref<!tpu.dma_semaphore, #tpu.memory_space<semaphore_mem>>) src(%dma_wait3A_157 : memref<128xi32, #tpu.memory_space<hbm>>) dst(%arg11 : memref<128xi32, #tpu.memory_space<vmem>>)
        tpu.yield
      }) : () -> ()
      %dma_start3A = arith.constant 0 : i32
      %dma_start3A_35 = arith.constant 0 : i32
      %dma_start3A_36 = tpu.memref_slice %arg2[%dma_start3A, %dma_start3A_35] : memref<10016x144xf32, #tpu.memory_space<hbm>> -> memref<10016x144xf32, #tpu.memory_space<hbm>>
      tpu.enqueue_indirect_dma source(%dma_start3A_36 : memref<10016x144xf32, #tpu.memory_space<hbm>>) target(%arg13 : memref<128x144xf32, #tpu.memory_space<vmem>>) offsets(%arg10 : memref<128xi32, #tpu.memory_space<vmem>>) semaphore(%arg15 : memref<!tpu.dma_semaphore, #tpu.memory_space<semaphore_mem>>)
      %get3A = arith.constant 0 : index
      %get3A_37 = tpu.vector_load %arg10[%get3A] {strides = array<i32>} : memref<128xi32, #tpu.memory_space<vmem>>, vector<16xi32>,
      %get3A_38 = arith.constant 0 : index
      %get3A_39 = tpu.vector_load %arg11[%get3A_38] {strides = array<i32>} : memref<128xi32, #tpu.memory_space<vmem>>, vector<16xi32>,
      %gather3A = tpu.vector_load_idx %arg8[%get3A_37] : memref<10016xf32, #tpu.memory_space<vmem>>[vector<16xi32>], vector<16xf32>,
      %gather3A_40 = tpu.vector_load_idx %arg9[%get3A_39] : memref<10016xf32, #tpu.memory_space<vmem>>[vector<16xi32>], vector<16xf32>,
      %add3A_41 = arith.addf %gather3A, %gather3A_40 : vector<16xf32>
      %mul3A_42 = arith.constant 2.000000e-01 : f32
      %mul3A_43 = vector.broadcast %mul3A_42 : f32 to vector<16xf32>
      %mul3A_44 = arith.mulf %mul3A_43, %add3A_41 : vector<16xf32>
      %max3A = arith.maximumf %add3A_41, %mul3A_44 : vector<16xf32>
      %exp3A = math.exp %max3A : vector<16xf32>
      %swap3A = arith.constant 0 : index
      %swap3A_45 = tpu.vector_load %arg12[%swap3A] {strides = array<i32>} : memref<128xf32, #tpu.memory_space<vmem>>, vector<16xf32>,
      tpu.vector_store %arg12[%swap3A], %exp3A {strides = array<i32>} : memref<128xf32, #tpu.memory_space<vmem>>, vector<16xf32>,
      %get3A_46 = arith.constant 16 : index
      %get3A_47 = tpu.vector_load %arg10[%get3A_46] {strides = array<i32>} : memref<128xi32, #tpu.memory_space<vmem>>, vector<16xi32>,
      %get3A_48 = arith.constant 16 : index
      %get3A_49 = tpu.vector_load %arg11[%get3A_48] {strides = array<i32>} : memref<128xi32, #tpu.memory_space<vmem>>, vector<16xi32>,
      %gather3A_50 = tpu.vector_load_idx %arg8[%get3A_47] : memref<10016xf32, #tpu.memory_space<vmem>>[vector<16xi32>], vector<16xf32>,
      %gather3A_51 = tpu.vector_load_idx %arg9[%get3A_49] : memref<10016xf32, #tpu.memory_space<vmem>>[vector<16xi32>], vector<16xf32>,
      %add3A_52 = arith.addf %gather3A_50, %gather3A_51 : vector<16xf32>
      %mul3A_53 = arith.constant 2.000000e-01 : f32
      %mul3A_54 = vector.broadcast %mul3A_53 : f32 to vector<16xf32>
      %mul3A_55 = arith.mulf %mul3A_54, %add3A_52 : vector<16xf32>
      %max3A_56 = arith.maximumf %add3A_52, %mul3A_55 : vector<16xf32>
      %exp3A_57 = math.exp %max3A_56 : vector<16xf32>
      %swap3A_58 = arith.constant 16 : index
      %swap3A_59 = tpu.vector_load %arg12[%swap3A_58] {strides = array<i32>} : memref<128xf32, #tpu.memory_space<vmem>>, vector<16xf32>,
      tpu.vector_store %arg12[%swap3A_58], %exp3A_57 {strides = array<i32>} : memref<128xf32, #tpu.memory_space<vmem>>, vector<16xf32>,
      %get3A_60 = arith.constant 32 : index
      %get3A_61 = tpu.vector_load %arg10[%get3A_60] {strides = array<i32>} : memref<128xi32, #tpu.memory_space<vmem>>, vector<16xi32>,
      %get3A_62 = arith.constant 32 : index
      %get3A_63 = tpu.vector_load %arg11[%get3A_62] {strides = array<i32>} : memref<128xi32, #tpu.memory_space<vmem>>, vector<16xi32>,
      %gather3A_64 = tpu.vector_load_idx %arg8[%get3A_61] : memref<10016xf32, #tpu.memory_space<vmem>>[vector<16xi32>], vector<16xf32>,
      %gather3A_65 = tpu.vector_load_idx %arg9[%get3A_63] : memref<10016xf32, #tpu.memory_space<vmem>>[vector<16xi32>], vector<16xf32>,
      %add3A_66 = arith.addf %gather3A_64, %gather3A_65 : vector<16xf32>
      %mul3A_67 = arith.constant 2.000000e-01 : f32
      %mul3A_68 = vector.broadcast %mul3A_67 : f32 to vector<16xf32>
      %mul3A_69 = arith.mulf %mul3A_68, %add3A_66 : vector<16xf32>
      %max3A_70 = arith.maximumf %add3A_66, %mul3A_69 : vector<16xf32>
      %exp3A_71 = math.exp %max3A_70 : vector<16xf32>
      %swap3A_72 = arith.constant 32 : index
      %swap3A_73 = tpu.vector_load %arg12[%swap3A_72] {strides = array<i32>} : memref<128xf32, #tpu.memory_space<vmem>>, vector<16xf32>,
      tpu.vector_store %arg12[%swap3A_72], %exp3A_71 {strides = array<i32>} : memref<128xf32, #tpu.memory_space<vmem>>, vector<16xf32>,
      %get3A_74 = arith.constant 48 : index
      %get3A_75 = tpu.vector_load %arg10[%get3A_74] {strides = array<i32>} : memref<128xi32, #tpu.memory_space<vmem>>, vector<16xi32>,
      %get3A_76 = arith.constant 48 : index
      %get3A_77 = tpu.vector_load %arg11[%get3A_76] {strides = array<i32>} : memref<128xi32, #tpu.memory_space<vmem>>, vector<16xi32>,
      %gather3A_78 = tpu.vector_load_idx %arg8[%get3A_75] : memref<10016xf32, #tpu.memory_space<vmem>>[vector<16xi32>], vector<16xf32>,
      %gather3A_79 = tpu.vector_load_idx %arg9[%get3A_77] : memref<10016xf32, #tpu.memory_space<vmem>>[vector<16xi32>], vector<16xf32>,
      %add3A_80 = arith.addf %gather3A_78, %gather3A_79 : vector<16xf32>
      %mul3A_81 = arith.constant 2.000000e-01 : f32
      %mul3A_82 = vector.broadcast %mul3A_81 : f32 to vector<16xf32>
      %mul3A_83 = arith.mulf %mul3A_82, %add3A_80 : vector<16xf32>
      %max3A_84 = arith.maximumf %add3A_80, %mul3A_83 : vector<16xf32>
      %exp3A_85 = math.exp %max3A_84 : vector<16xf32>
      %swap3A_86 = arith.constant 48 : index
      %swap3A_87 = tpu.vector_load %arg12[%swap3A_86] {strides = array<i32>} : memref<128xf32, #tpu.memory_space<vmem>>, vector<16xf32>,
      tpu.vector_store %arg12[%swap3A_86], %exp3A_85 {strides = array<i32>} : memref<128xf32, #tpu.memory_space<vmem>>, vector<16xf32>,
      %get3A_88 = arith.constant 64 : index
      %get3A_89 = tpu.vector_load %arg10[%get3A_88] {strides = array<i32>} : memref<128xi32, #tpu.memory_space<vmem>>, vector<16xi32>,
      %get3A_90 = arith.constant 64 : index
      %get3A_91 = tpu.vector_load %arg11[%get3A_90] {strides = array<i32>} : memref<128xi32, #tpu.memory_space<vmem>>, vector<16xi32>,
      %gather3A_92 = tpu.vector_load_idx %arg8[%get3A_89] : memref<10016xf32, #tpu.memory_space<vmem>>[vector<16xi32>], vector<16xf32>,
      %gather3A_93 = tpu.vector_load_idx %arg9[%get3A_91] : memref<10016xf32, #tpu.memory_space<vmem>>[vector<16xi32>], vector<16xf32>,
      %add3A_94 = arith.addf %gather3A_92, %gather3A_93 : vector<16xf32>
      %mul3A_95 = arith.constant 2.000000e-01 : f32
      %mul3A_96 = vector.broadcast %mul3A_95 : f32 to vector<16xf32>
      %mul3A_97 = arith.mulf %mul3A_96, %add3A_94 : vector<16xf32>
      %max3A_98 = arith.maximumf %add3A_94, %mul3A_97 : vector<16xf32>
      %exp3A_99 = math.exp %max3A_98 : vector<16xf32>
      %swap3A_100 = arith.constant 64 : index
      %swap3A_101 = tpu.vector_load %arg12[%swap3A_100] {strides = array<i32>} : memref<128xf32, #tpu.memory_space<vmem>>, vector<16xf32>,
      tpu.vector_store %arg12[%swap3A_100], %exp3A_99 {strides = array<i32>} : memref<128xf32, #tpu.memory_space<vmem>>, vector<16xf32>,
      %get3A_102 = arith.constant 80 : index
      %get3A_103 = tpu.vector_load %arg10[%get3A_102] {strides = array<i32>} : memref<128xi32, #tpu.memory_space<vmem>>, vector<16xi32>,
      %get3A_104 = arith.constant 80 : index
      %get3A_105 = tpu.vector_load %arg11[%get3A_104] {strides = array<i32>} : memref<128xi32, #tpu.memory_space<vmem>>, vector<16xi32>,
      %gather3A_106 = tpu.vector_load_idx %arg8[%get3A_103] : memref<10016xf32, #tpu.memory_space<vmem>>[vector<16xi32>], vector<16xf32>,
      %gather3A_107 = tpu.vector_load_idx %arg9[%get3A_105] : memref<10016xf32, #tpu.memory_space<vmem>>[vector<16xi32>], vector<16xf32>,
      %add3A_108 = arith.addf %gather3A_106, %gather3A_107 : vector<16xf32>
      %mul3A_109 = arith.constant 2.000000e-01 : f32
      %mul3A_110 = vector.broadcast %mul3A_109 : f32 to vector<16xf32>
      %mul3A_111 = arith.mulf %mul3A_110, %add3A_108 : vector<16xf32>
      %max3A_112 = arith.maximumf %add3A_108, %mul3A_111 : vector<16xf32>
      %exp3A_113 = math.exp %max3A_112 : vector<16xf32>
      %swap3A_114 = arith.constant 80 : index
      %swap3A_115 = tpu.vector_load %arg12[%swap3A_114] {strides = array<i32>} : memref<128xf32, #tpu.memory_space<vmem>>, vector<16xf32>,
      tpu.vector_store %arg12[%swap3A_114], %exp3A_113 {strides = array<i32>} : memref<128xf32, #tpu.memory_space<vmem>>, vector<16xf32>,
      %get3A_116 = arith.constant 96 : index
      %get3A_117 = tpu.vector_load %arg10[%get3A_116] {strides = array<i32>} : memref<128xi32, #tpu.memory_space<vmem>>, vector<16xi32>,
      %get3A_118 = arith.constant 96 : index
      %get3A_119 = tpu.vector_load %arg11[%get3A_118] {strides = array<i32>} : memref<128xi32, #tpu.memory_space<vmem>>, vector<16xi32>,
      %gather3A_120 = tpu.vector_load_idx %arg8[%get3A_117] : memref<10016xf32, #tpu.memory_space<vmem>>[vector<16xi32>], vector<16xf32>,
      %gather3A_121 = tpu.vector_load_idx %arg9[%get3A_119] : memref<10016xf32, #tpu.memory_space<vmem>>[vector<16xi32>], vector<16xf32>,
      %add3A_122 = arith.addf %gather3A_120, %gather3A_121 : vector<16xf32>
      %mul3A_123 = arith.constant 2.000000e-01 : f32
      %mul3A_124 = vector.broadcast %mul3A_123 : f32 to vector<16xf32>
      %mul3A_125 = arith.mulf %mul3A_124, %add3A_122 : vector<16xf32>
      %max3A_126 = arith.maximumf %add3A_122, %mul3A_125 : vector<16xf32>
      %exp3A_127 = math.exp %max3A_126 : vector<16xf32>
      %swap3A_128 = arith.constant 96 : index
      %swap3A_129 = tpu.vector_load %arg12[%swap3A_128] {strides = array<i32>} : memref<128xf32, #tpu.memory_space<vmem>>, vector<16xf32>,
      tpu.vector_store %arg12[%swap3A_128], %exp3A_127 {strides = array<i32>} : memref<128xf32, #tpu.memory_space<vmem>>, vector<16xf32>,
      %get3A_130 = arith.constant 112 : index
      %get3A_131 = tpu.vector_load %arg10[%get3A_130] {strides = array<i32>} : memref<128xi32, #tpu.memory_space<vmem>>, vector<16xi32>,
      %get3A_132 = arith.constant 112 : index
      %get3A_133 = tpu.vector_load %arg11[%get3A_132] {strides = array<i32>} : memref<128xi32, #tpu.memory_space<vmem>>, vector<16xi32>,
      %gather3A_134 = tpu.vector_load_idx %arg8[%get3A_131] : memref<10016xf32, #tpu.memory_space<vmem>>[vector<16xi32>], vector<16xf32>,
      %gather3A_135 = tpu.vector_load_idx %arg9[%get3A_133] : memref<10016xf32, #tpu.memory_space<vmem>>[vector<16xi32>], vector<16xf32>,
      %add3A_136 = arith.addf %gather3A_134, %gather3A_135 : vector<16xf32>
      %mul3A_137 = arith.constant 2.000000e-01 : f32
      %mul3A_138 = vector.broadcast %mul3A_137 : f32 to vector<16xf32>
      %mul3A_139 = arith.mulf %mul3A_138, %add3A_136 : vector<16xf32>
      %max3A_140 = arith.maximumf %add3A_136, %mul3A_139 : vector<16xf32>
      %exp3A_141 = math.exp %max3A_140 : vector<16xf32>
      %swap3A_142 = arith.constant 112 : index
      %swap3A_143 = tpu.vector_load %arg12[%swap3A_142] {strides = array<i32>} : memref<128xf32, #tpu.memory_space<vmem>>, vector<16xf32>,
      tpu.vector_store %arg12[%swap3A_142], %exp3A_141 {strides = array<i32>} : memref<128xf32, #tpu.memory_space<vmem>>, vector<16xf32>,
      %dma_wait3A = arith.constant 0 : i32
      %dma_wait3A_144 = arith.constant 0 : i32
      %dma_wait3A_145 = tpu.memref_slice %arg2[%dma_wait3A, %dma_wait3A_144] : memref<10016x144xf32, #tpu.memory_space<hbm>> -> memref<10016x144xf32, #tpu.memory_space<hbm>>
      tpu.wait_indirect_dma semaphore(%arg15 : memref<!tpu.dma_semaphore, #tpu.memory_space<semaphore_mem>>) src(%dma_wait3A_145 : memref<10016x144xf32, #tpu.memory_space<hbm>>) dst(%arg13 : memref<128x144xf32, #tpu.memory_space<vmem>>)
      %scan3A_146 = arith.constant 0 : i32
      %scan3A_147 = arith.constant 0 : i32
      %scan3A_148 = arith.constant 128 : i32
      %scan3A_149 = arith.addi %scan3A_147, %scan3A_148 : i32
      %scan3A_150 = arith.constant 1 : i32
      %scan3A_151 = scf.for %scan3A_154 = %scan3A_147 to %scan3A_149 step %scan3A_150 iter_args(%scan3A_155 = %scan3A_146) -> (i32)  : i32 {
        %broadcast_in_dim3A = vector.broadcast %scan3A_154 : i32 to vector<16xi32>
        %gather3A_156 = tpu.vector_load_idx %arg12[%broadcast_in_dim3A] : memref<128xf32, #tpu.memory_space<vmem>>[vector<16xi32>], vector<16xf32>,
        %get3A_157 = arith.index_cast %scan3A_154 : i32 to index
        %get3A_158 = arith.constant 0 : index
        %get3A_159 = tpu.vector_load %arg13[%get3A_157, %get3A_158] {strides = array<i32>} : memref<128x144xf32, #tpu.memory_space<vmem>>, vector<16xf32>,
        %mul3A_160 = arith.mulf %get3A_159, %gather3A_156 : vector<16xf32>
        %swap3A_161 = arith.index_cast %scan3A_154 : i32 to index
        %swap3A_162 = arith.constant 0 : index
        %swap3A_163 = tpu.vector_load %arg13[%swap3A_161, %swap3A_162] {strides = array<i32>} : memref<128x144xf32, #tpu.memory_space<vmem>>, vector<16xf32>,
        tpu.vector_store %arg13[%swap3A_161, %swap3A_162], %mul3A_160 {strides = array<i32>} : memref<128x144xf32, #tpu.memory_space<vmem>>, vector<16xf32>,
        %get3A_164 = arith.index_cast %scan3A_154 : i32 to index
        %get3A_165 = arith.constant 16 : index
        %get3A_166 = tpu.vector_load %arg13[%get3A_164, %get3A_165] {strides = array<i32>} : memref<128x144xf32, #tpu.memory_space<vmem>>, vector<16xf32>,
        %mul3A_167 = arith.mulf %get3A_166, %gather3A_156 : vector<16xf32>
        %swap3A_168 = arith.index_cast %scan3A_154 : i32 to index
        %swap3A_169 = arith.constant 16 : index
        %swap3A_170 = tpu.vector_load %arg13[%swap3A_168, %swap3A_169] {strides = array<i32>} : memref<128x144xf32, #tpu.memory_space<vmem>>, vector<16xf32>,
        tpu.vector_store %arg13[%swap3A_168, %swap3A_169], %mul3A_167 {strides = array<i32>} : memref<128x144xf32, #tpu.memory_space<vmem>>, vector<16xf32>,
        %get3A_171 = arith.index_cast %scan3A_154 : i32 to index
        %get3A_172 = arith.constant 32 : index
        %get3A_173 = tpu.vector_load %arg13[%get3A_171, %get3A_172] {strides = array<i32>} : memref<128x144xf32, #tpu.memory_space<vmem>>, vector<16xf32>,
        %mul3A_174 = arith.mulf %get3A_173, %gather3A_156 : vector<16xf32>
        %swap3A_175 = arith.index_cast %scan3A_154 : i32 to index
        %swap3A_176 = arith.constant 32 : index
        %swap3A_177 = tpu.vector_load %arg13[%swap3A_175, %swap3A_176] {strides = array<i32>} : memref<128x144xf32, #tpu.memory_space<vmem>>, vector<16xf32>,
        tpu.vector_store %arg13[%swap3A_175, %swap3A_176], %mul3A_174 {strides = array<i32>} : memref<128x144xf32, #tpu.memory_space<vmem>>, vector<16xf32>,
        %get3A_178 = arith.index_cast %scan3A_154 : i32 to index
        %get3A_179 = arith.constant 48 : index
        %get3A_180 = tpu.vector_load %arg13[%get3A_178, %get3A_179] {strides = array<i32>} : memref<128x144xf32, #tpu.memory_space<vmem>>, vector<16xf32>,
        %mul3A_181 = arith.mulf %get3A_180, %gather3A_156 : vector<16xf32>
        %swap3A_182 = arith.index_cast %scan3A_154 : i32 to index
        %swap3A_183 = arith.constant 48 : index
        %swap3A_184 = tpu.vector_load %arg13[%swap3A_182, %swap3A_183] {strides = array<i32>} : memref<128x144xf32, #tpu.memory_space<vmem>>, vector<16xf32>,
        tpu.vector_store %arg13[%swap3A_182, %swap3A_183], %mul3A_181 {strides = array<i32>} : memref<128x144xf32, #tpu.memory_space<vmem>>, vector<16xf32>,
        %get3A_185 = arith.index_cast %scan3A_154 : i32 to index
        %get3A_186 = arith.constant 64 : index
        %get3A_187 = tpu.vector_load %arg13[%get3A_185, %get3A_186] {strides = array<i32>} : memref<128x144xf32, #tpu.memory_space<vmem>>, vector<16xf32>,
        %mul3A_188 = arith.mulf %get3A_187, %gather3A_156 : vector<16xf32>
        %swap3A_189 = arith.index_cast %scan3A_154 : i32 to index
        %swap3A_190 = arith.constant 64 : index
        %swap3A_191 = tpu.vector_load %arg13[%swap3A_189, %swap3A_190] {strides = array<i32>} : memref<128x144xf32, #tpu.memory_space<vmem>>, vector<16xf32>,
        tpu.vector_store %arg13[%swap3A_189, %swap3A_190], %mul3A_188 {strides = array<i32>} : memref<128x144xf32, #tpu.memory_space<vmem>>, vector<16xf32>,
        %get3A_192 = arith.index_cast %scan3A_154 : i32 to index
        %get3A_193 = arith.constant 80 : index
        %get3A_194 = tpu.vector_load %arg13[%get3A_192, %get3A_193] {strides = array<i32>} : memref<128x144xf32, #tpu.memory_space<vmem>>, vector<16xf32>,
        %mul3A_195 = arith.mulf %get3A_194, %gather3A_156 : vector<16xf32>
        %swap3A_196 = arith.index_cast %scan3A_154 : i32 to index
        %swap3A_197 = arith.constant 80 : index
        %swap3A_198 = tpu.vector_load %arg13[%swap3A_196, %swap3A_197] {strides = array<i32>} : memref<128x144xf32, #tpu.memory_space<vmem>>, vector<16xf32>,
        tpu.vector_store %arg13[%swap3A_196, %swap3A_197], %mul3A_195 {strides = array<i32>} : memref<128x144xf32, #tpu.memory_space<vmem>>, vector<16xf32>,
        %get3A_199 = arith.index_cast %scan3A_154 : i32 to index
        %get3A_200 = arith.constant 96 : index
        %get3A_201 = tpu.vector_load %arg13[%get3A_199, %get3A_200] {strides = array<i32>} : memref<128x144xf32, #tpu.memory_space<vmem>>, vector<16xf32>,
        %mul3A_202 = arith.mulf %get3A_201, %gather3A_156 : vector<16xf32>
        %swap3A_203 = arith.index_cast %scan3A_154 : i32 to index
        %swap3A_204 = arith.constant 96 : index
        %swap3A_205 = tpu.vector_load %arg13[%swap3A_203, %swap3A_204] {strides = array<i32>} : memref<128x144xf32, #tpu.memory_space<vmem>>, vector<16xf32>,
        tpu.vector_store %arg13[%swap3A_203, %swap3A_204], %mul3A_202 {strides = array<i32>} : memref<128x144xf32, #tpu.memory_space<vmem>>, vector<16xf32>,
        %get3A_206 = arith.index_cast %scan3A_154 : i32 to index
        %get3A_207 = arith.constant 112 : index
        %get3A_208 = tpu.vector_load %arg13[%get3A_206, %get3A_207] {strides = array<i32>} : memref<128x144xf32, #tpu.memory_space<vmem>>, vector<16xf32>,
        %mul3A_209 = arith.mulf %get3A_208, %gather3A_156 : vector<16xf32>
        %swap3A_210 = arith.index_cast %scan3A_154 : i32 to index
        %swap3A_211 = arith.constant 112 : index
        %swap3A_212 = tpu.vector_load %arg13[%swap3A_210, %swap3A_211] {strides = array<i32>} : memref<128x144xf32, #tpu.memory_space<vmem>>, vector<16xf32>,
        tpu.vector_store %arg13[%swap3A_210, %swap3A_211], %mul3A_209 {strides = array<i32>} : memref<128x144xf32, #tpu.memory_space<vmem>>, vector<16xf32>,
        %get3A_213 = arith.index_cast %scan3A_154 : i32 to index
        %get3A_214 = arith.constant 128 : index
        %get3A_215 = tpu.vector_load %arg13[%get3A_213, %get3A_214] {strides = array<i32>} : memref<128x144xf32, #tpu.memory_space<vmem>>, vector<16xf32>,
        %mul3A_216 = arith.mulf %get3A_215, %gather3A_156 : vector<16xf32>
        %swap3A_217 = arith.index_cast %scan3A_154 : i32 to index
        %swap3A_218 = arith.constant 128 : index
        %swap3A_219 = tpu.vector_load %arg13[%swap3A_217, %swap3A_218] {strides = array<i32>} : memref<128x144xf32, #tpu.memory_space<vmem>>, vector<16xf32>,
        tpu.vector_store %arg13[%swap3A_217, %swap3A_218], %mul3A_216 {strides = array<i32>} : memref<128x144xf32, #tpu.memory_space<vmem>>, vector<16xf32>,
        %scan3A_220 = arith.constant 0 : i32
        scf.yield %scan3A_220 : i32
      }
      %scan3A_152 = arith.constant 128 : i32
      "tpu.region"() ({
        %run_scoped3A = tpu.sem_alloc : memref<!tpu.dma_semaphore, #tpu.memory_space<semaphore_mem>>
        %dma_start3A_154 = arith.constant 0 : i32
        %dma_start3A_155 = arith.constant 0 : i32
        %dma_start3A_156 = tpu.memref_slice %arg14[%dma_start3A_154, %dma_start3A_155] : memref<10016x144xf32, #tpu.memory_space<vmem_shared>> -> memref<10016x144xf32, #tpu.memory_space<vmem_shared>>
        tpu.enqueue_indirect_dma source(%arg13 : memref<128x144xf32, #tpu.memory_space<vmem>>) target(%dma_start3A_156 : memref<10016x144xf32, #tpu.memory_space<vmem_shared>>) offsets(%arg11 : memref<128xi32, #tpu.memory_space<vmem>>) semaphore(%run_scoped3A : memref<!tpu.dma_semaphore, #tpu.memory_space<semaphore_mem>>) {add = true}
        %dma_wait3A_157 = arith.constant 0 : i32
        %dma_wait3A_158 = arith.constant 0 : i32
        %dma_wait3A_159 = tpu.memref_slice %arg14[%dma_wait3A_157, %dma_wait3A_158] : memref<10016x144xf32, #tpu.memory_space<vmem_shared>> -> memref<10016x144xf32, #tpu.memory_space<vmem_shared>>
        tpu.wait_indirect_dma semaphore(%run_scoped3A : memref<!tpu.dma_semaphore, #tpu.memory_space<semaphore_mem>>) src(%arg13 : memref<128x144xf32, #tpu.memory_space<vmem>>) dst(%dma_wait3A_159 : memref<10016x144xf32, #tpu.memory_space<vmem_shared>>)
        tpu.yield
      }) : () -> ()
      %scan3A_153 = arith.constant 0 : i32
      scf.yield %scan3A_153 : i32
    }
    %scan3A_24 = arith.constant 81 : i32
    %barrier3A_25 = arith.constant 0 : index
    tpu.barrier barrier_id(%barrier3A_25)
    %mul3A_26 = arith.constant 626 : i32
    %mul3A_27 = arith.muli %arg1, %mul3A_26 : i32
    "tpu.region"() ({
      %run_scoped3A = tpu.sem_alloc : memref<!tpu.dma_semaphore, #tpu.memory_space<semaphore_mem>>
      %dma_start3A = arith.constant 0 : i32
      %dma_start3A_28 = tpu.memref_slice %arg7[%arg0, %mul3A_27, %dma_start3A] : memref<2x10016x144xf32, #tpu.memory_space<hbm>> -> memref<1x626x144xf32, #tpu.memory_space<hbm>>
      %dma_start3A_29 = tpu.memref_squeeze %dma_start3A_28 : memref<1x626x144xf32, #tpu.memory_space<hbm>> -> memref<626x144xf32, #tpu.memory_space<hbm>>
      %dma_start3A_30 = arith.constant 0 : i32
      %dma_start3A_31 = tpu.memref_slice %arg14[%mul3A_27, %dma_start3A_30] : memref<10016x144xf32, #tpu.memory_space<vmem_shared>> -> memref<626x144xf32, #tpu.memory_space<vmem_shared>>
      tpu.enqueue_dma source(%dma_start3A_31 : memref<626x144xf32, #tpu.memory_space<vmem_shared>>) target(%dma_start3A_29 : memref<626x144xf32, #tpu.memory_space<hbm>>) target_semaphore(%run_scoped3A : memref<!tpu.dma_semaphore, #tpu.memory_space<semaphore_mem>>)
      %dma_wait3A = arith.constant 0 : i32
      %dma_wait3A_32 = tpu.memref_slice %arg7[%arg0, %mul3A_27, %dma_wait3A] : memref<2x10016x144xf32, #tpu.memory_space<hbm>> -> memref<1x626x144xf32, #tpu.memory_space<hbm>>
      %dma_wait3A_33 = tpu.memref_squeeze %dma_wait3A_32 : memref<1x626x144xf32, #tpu.memory_space<hbm>> -> memref<626x144xf32, #tpu.memory_space<hbm>>
      %dma_wait3A_34 = arith.constant 0 : i32
      %dma_wait3A_35 = tpu.memref_slice %arg14[%mul3A_27, %dma_wait3A_34] : memref<10016x144xf32, #tpu.memory_space<vmem_shared>> -> memref<626x144xf32, #tpu.memory_space<vmem_shared>>
      tpu.wait_dma2 semaphore(%run_scoped3A : memref<!tpu.dma_semaphore, #tpu.memory_space<semaphore_mem>>) src(%dma_wait3A_35 : memref<626x144xf32, #tpu.memory_space<vmem_shared>>) dst(%dma_wait3A_33 : memref<626x144xf32, #tpu.memory_space<hbm>>)
      tpu.yield
    }) : () -> ()
    return
  }
}

module attributes {stable_mosaic.version = 14 : i64} {
  func.func @_prep_body(%arg0: memref<10016x128xf32, #tpu.memory_space<vmem>>, %arg1: memref<128x128xf32, #tpu.memory_space<vmem>>, %arg2: memref<128x2xf32, #tpu.memory_space<vmem>>, %arg3: memref<10016x144xf32, #tpu.memory_space<vmem>>, %arg4: memref<10016x2xf32, #tpu.memory_space<vmem>>) attributes {dimension_semantics = [], scalar_prefetch = 0 : i64, scratch_operands = 0 : i64, tpu.core_type = #tpu.core_type<tc>} {
    %get3A = arith.constant 0 : index
    %get3A_0 = arith.constant 0 : index
    %get3A_1 = vector.load %arg0[%get3A, %get3A_0] : memref<10016x128xf32, #tpu.memory_space<vmem>>, vector<10016x128xf32>
    %get3A_2 = arith.constant 0 : index
    %get3A_3 = arith.constant 0 : index
    %get3A_4 = vector.load %arg1[%get3A_2, %get3A_3] : memref<128x128xf32, #tpu.memory_space<vmem>>, vector<128x128xf32>
    %dot_general3A = arith.constant dense<0.000000e+00> : vector<10016x128xf32>
    %dot_general3A_5 = tpu.matmul %get3A_1, %get3A_4, %dot_general3A {dimension_numbers = #tpu.dot_dimension_numbers<[1], [0], [0], [1], [0, 0, 1, 1], [], []>, transpose_lhs_hint = false} : vector<10016x128xf32>, vector<128x128xf32>, vector<10016x128xf32> -> vector<10016x128xf32>
    %swap3A = arith.constant 0 : index
    %swap3A_6 = arith.constant 0 : index
    %swap3A_7 = vector.load %arg3[%swap3A, %swap3A_6] : memref<10016x144xf32, #tpu.memory_space<vmem>>, vector<10016x128xf32>
    tpu.vector_store %arg3[%swap3A, %swap3A_6], %dot_general3A_5 {strides = array<i32>} : memref<10016x144xf32, #tpu.memory_space<vmem>>, vector<10016x128xf32>,
    %broadcast_in_dim3A = arith.constant 1.000000e+00 : f32
    %broadcast_in_dim3A_8 = vector.broadcast %broadcast_in_dim3A : f32 to vector<10016x16xf32>
    %swap3A_9 = arith.constant 0 : index
    %swap3A_10 = arith.constant 128 : index
    %swap3A_11 = vector.load %arg3[%swap3A_9, %swap3A_10] : memref<10016x144xf32, #tpu.memory_space<vmem>>, vector<10016x16xf32>
    tpu.vector_store %arg3[%swap3A_9, %swap3A_10], %broadcast_in_dim3A_8 {strides = array<i32>} : memref<10016x144xf32, #tpu.memory_space<vmem>>, vector<10016x16xf32>,
    %get3A_12 = arith.constant 0 : index
    %get3A_13 = arith.constant 0 : index
    %get3A_14 = vector.load %arg2[%get3A_12, %get3A_13] : memref<128x2xf32, #tpu.memory_space<vmem>>, vector<128x2xf32>
    %dot_general3A_15 = arith.constant dense<0.000000e+00> : vector<10016x2xf32>
    %dot_general3A_16 = tpu.matmul %dot_general3A_5, %get3A_14, %dot_general3A_15 {dimension_numbers = #tpu.dot_dimension_numbers<[1], [0], [0], [1], [0, 0, 1, 1], [], []>, transpose_lhs_hint = false} : vector<10016x128xf32>, vector<128x2xf32>, vector<10016x2xf32> -> vector<10016x2xf32>
    %swap3A_17 = arith.constant 0 : index
    %swap3A_18 = arith.constant 0 : index
    %swap3A_19 = vector.load %arg4[%swap3A_17, %swap3A_18] : memref<10016x2xf32, #tpu.memory_space<vmem>>, vector<10016x2xf32>
    tpu.vector_store %arg4[%swap3A_17, %swap3A_18], %dot_general3A_16 {strides = array<i32>} : memref<10016x2xf32, #tpu.memory_space<vmem>>, vector<10016x2xf32>,
    return
  }
}

module attributes {stable_mosaic.version = 14 : i64} {
  func.func @_fin_body(%arg0: memref<2x10016x144xf32, #tpu.memory_space<vmem>>, %arg1: memref<10000x128xf32, #tpu.memory_space<vmem>>) attributes {dimension_semantics = [], scalar_prefetch = 0 : i64, scratch_operands = 0 : i64, tpu.core_type = #tpu.core_type<tc>} {
    %get3A = arith.constant 0 : index
    %get3A_0 = arith.constant 0 : index
    %get3A_1 = arith.constant 0 : index
    %get3A_2 = vector.load %arg0[%get3A, %get3A_0, %get3A_1] : memref<2x10016x144xf32, #tpu.memory_space<vmem>>, vector<1x10016x144xf32>
    %get3A_3 = vector.shape_cast %get3A_2 : vector<1x10016x144xf32> to vector<10016x144xf32>
    %get3A_4 = arith.constant 1 : index
    %get3A_5 = arith.constant 0 : index
    %get3A_6 = arith.constant 0 : index
    %get3A_7 = vector.load %arg0[%get3A_4, %get3A_5, %get3A_6] : memref<2x10016x144xf32, #tpu.memory_space<vmem>>, vector<1x10016x144xf32>
    %get3A_8 = vector.shape_cast %get3A_7 : vector<1x10016x144xf32> to vector<10016x144xf32>
    %add3A = arith.addf %get3A_3, %get3A_8 : vector<10016x144xf32>
    %slice3A = vector.extract_strided_slice %add3A {offsets = [0, 0], sizes = [10000, 128], strides = [1, 1]} : vector<10016x144xf32> to vector<10000x128xf32>
    %slice3A_9 = vector.extract_strided_slice %add3A {offsets = [0, 128], sizes = [10000, 1], strides = [1, 1]} : vector<10016x144xf32> to vector<10000x1xf32>
    %div3A = vector.broadcast %slice3A_9 : vector<10000x1xf32> to vector<10000x128xf32>
    %div3A_10 = arith.divf %slice3A, %div3A : vector<10000x128xf32>
    %swap3A = arith.constant 0 : index
    %swap3A_11 = arith.constant 0 : index
    %swap3A_12 = vector.load %arg1[%swap3A, %swap3A_11] : memref<10000x128xf32, #tpu.memory_space<vmem>>, vector<10000x128xf32>
    tpu.vector_store %arg1[%swap3A, %swap3A_11], %div3A_10 {strides = array<i32>} : memref<10000x128xf32, #tpu.memory_space<vmem>>, vector<10000x128xf32>,
    return
  }
}

</mosaic_0001>

<sc_bundles>
// kernel: kernel.5.cloned.1.call-start
scs
__scs_entry_jumppad:
0x0: {  	(pc) =	sbr.rel $0x88, $3  }
0x1: {  	(tag) =	ssettag $0x0;
	lr =	simm.s32 $0x1  }
0x2: {  	[smem:$0x3F9C] =	sst lr;
	_ =	strace $0xD0000000  }
0x3: {  	_ = 	snop  }
0x4: {  	_ = 	snop  }
0x5: {  	_ = 	snop  }
0x6: {  	_ = 	snop  }
0x7: {  	_ = 	snop  }
__scs_overlays_trampoline_lowered:
0x8: {  	[smem:$0x3FAB] =	sst s0  }
0x9: {  	[smem:$0x3FAC] =	sst s1  }
0xa: {  	[smem:$0x3FAD] =	sst s2  }
0xb: {  	[smem:$0x3FAE] =	sst s3  }
0xc: {  	[smem:$0x3FAF] =	sst s4  }
0xd: {  	[smem:$0x3FB0] =	sst s5  }
0xe: {  	[smem:$0x3FB1] =	sst s6  }
0xf: {  	[smem:$0x3FB2] =	sst s7  }
0x10: {  	[smem:$0x3FB3] =	sst s8  }
0x11: {  	[smem:$0x3FB4] =	sst s9;
	s0 =	simm.s32 @!p0 $0x0  }
0x12: {  	s1 =	sld [smem:$0x3F9A];
	s0 =	simm.s32 @p0 $0x1  }
0x13: {  	[smem:$0x3FB5] =	sst s0;
	s0 =	simm.s32 @!p1 $0x0  }
0x14: {  	s2 =	sld [smem:$0x3F99];
	s0 =	simm.s32 @p1 $0x1  }
0x15: {  	[smem:$0x3FB6] =	sst s0;
	s0 =	simm.s32 @!p2 $0x0  }
0x16: {  	s3 =	sld [smem:$0x3FDB];
	s0 =	simm.s32 @p2 $0x1  }
0x17: {  	s4 =	simm.s32 $0x1BF5;
	[smem:$0x3FB8] =	sst s0  }
0x18: {  	s0 =	sld [smem:$0x3F9B];
	_ =	swait.ge [sflag:s4], $0x0  }
0x19: {  	s7 =	sld [smem:$0x3F9C]  }
0x1a: {  	s8 =	sadd.s32 $0xFFFFE003, lr  }
0x1b: {  	s9 =	sadd.s32 $0xFFFFFEF7, lr;
	s5 =	simm.s32 $0xFFFFFFFF;
	p2 =	slt.u32 s8, $0xFFFFF086  }
0x1c: {  	p1 =	slt.u32 s9, $0xF7A;
	s5 =	simm.s32 @!p2 $0x0  }
0x1d: {  	s5 =	simm.s32 @p1 $0x1;
	p0 =	seq.s32 s7, s2  }
0x1e: {  	s7 =	smul.u32 @!p0 $0xF7A, s2;
	p2 =	seq.s32 @!p0 s5, $0x0  }
0x1f: {  	s9 =	smul.u32 $0xF7A, s1;
	s8 =	simm.s32 @!p0 $0x1BF5;
	p2 =	por !p2, p0  }
0x20: {  	[sflag:s8] =	ssyncset.s32 @!p0 $0xFFFFF086;
	s6 =	sadd.s32 @!p0 s3, s7;
	s7 =	simm.s32 @!p0 $0x108  }
0x21: {  	s3 =	sadd.s32 s3, s9;
	s6 =	sadd.s32 @!p0 $0x88, s6;
	s7 =	simm.s32 @p2 $0x1082  }
0x22: {  	[simem:s7], [sflag:s8] =	dma.local @!p0 [hbm:s6], $0xF7A  }
0x23: {  	s9 =	sor.u32 $0xD0000000, s2;
	s6 =	simm.s32 $0x108;
	_ =	swait.ge @!p0 [sflag:s8], $0x0  }
0x24: {  	s3 =	sadd.s32 $0x88, s3;
	s6 =	simm.s32 @!p1 $0x1082;
	[sflag:s4] =	ssyncset.s32 $0xFFFFF086  }
0x25: {  	[simem:s6], [sflag:s4] =	dma.local [hbm:s3], $0xF7A  }
0x26: {  	[smem:$0x3F9C] =	sst s1;
	(tag) =	ssettag s2;
	_ =	strace s9  }
0x27: {  	s1 =	sld [smem:$0x3FAC]  }
0x28: {  	s2 =	sld [smem:$0x3FAD]  }
0x29: {  	s4 =	sld [smem:$0x3FAF]  }
0x2a: {  	p0 =	seq.s32 s5, $0x0;
	s5 =	sld [smem:$0x3FB0]  }
0x2b: {  	s6 =	sld [smem:$0x3FB1]  }
0x2c: {  	s7 =	sld [smem:$0x3FB2]  }
0x2d: {  	s3 =	simm.s32 $0x108;
	s8 =	sld [smem:$0x3FB3]  }
0x2e: {  	s3 =	simm.s32 @!p0 $0x1082;
	s9 =	sld [smem:$0x3FB4]  }
0x2f: {  	lr =	sadd.s32 s0, s3;
	s0 =	sld [smem:$0x3FAB]  }
0x30: {  	s3 =	sld [smem:$0x3FAE]  }
0x31: {  	[smem:$0x3FB7] =	sst s10  }
0x32: {  	s10 =	sld [smem:$0x3FB5];
	_ =	sdelay $0x3  }
0x33: {  	p0 =	seq.s32 s10, $0x1;
	s10 =	sld [smem:$0x3FB7];
	_ =	sdelay $0x3  }
0x34: {  	[smem:$0x3FB7] =	sst s10  }
0x35: {  	s10 =	sld [smem:$0x3FB6];
	_ =	sdelay $0x3  }
0x36: {  	p1 =	seq.s32 s10, $0x1;
	s10 =	sld [smem:$0x3FB7];
	_ =	sdelay $0x3  }
0x37: {  	[smem:$0x3FB7] =	sst s10  }
0x38: {  	s10 =	sld [smem:$0x3FB8]  }
0x39: {  	_ = 	snop;
	(pc) =	sbr.ind lr, $3  }
0x3a: {  	_ = 	snop  }
0x3b: {  	_ = 	snop  }
0x3c: {  	p2 =	seq.s32 s10, $0x1;
	s10 =	sld [smem:$0x3FB7]  }
0x3d: {  	_ =	shalt  }
0x3e: {  	_ =	shalt  }
0x3f: {  	_ =	shalt  }
0x40: {  	_ =	shalt  }
0x41: {  	_ =	shalt  }
0x42: {  	_ =	shalt  }
0x43: {  	_ =	shalt  }
0x44: {  	_ =	shalt  }
0x45: {  	_ =	shalt  }
0x46: {  	_ =	shalt  }
0x47: {  	_ =	shalt  }
0x48: {  	_ =	shalt  }
0x49: {  	_ =	shalt  }
0x4a: {  	_ =	shalt  }
0x4b: {  	_ =	shalt  }
0x4c: {  	_ =	shalt  }
0x4d: {  	_ =	shalt  }
0x4e: {  	_ =	shalt  }
0x4f: {  	_ =	shalt  }
0x50: {  	_ =	shalt  }
0x51: {  	_ =	shalt  }
0x52: {  	_ =	shalt  }
0x53: {  	_ =	shalt  }
0x54: {  	_ =	shalt  }
0x55: {  	_ =	shalt  }
0x56: {  	_ =	shalt  }
0x57: {  	_ =	shalt  }
0x58: {  	_ =	shalt  }
0x59: {  	_ =	shalt  }
0x5a: {  	_ =	shalt  }
0x5b: {  	_ =	shalt  }
0x5c: {  	_ =	shalt  }
0x5d: {  	_ =	shalt  }
0x5e: {  	_ =	shalt  }
0x5f: {  	_ =	shalt  }
0x60: {  	_ =	shalt  }
0x61: {  	_ =	shalt  }
0x62: {  	_ =	shalt  }
0x63: {  	_ =	shalt  }
0x64: {  	_ =	shalt  }
0x65: {  	_ =	shalt  }
0x66: {  	_ =	shalt  }
0x67: {  	_ =	shalt  }
0x68: {  	_ =	shalt  }
0x69: {  	_ =	shalt  }
0x6a: {  	_ =	shalt  }
0x6b: {  	_ =	shalt  }
0x6c: {  	_ =	shalt  }
0x6d: {  	_ =	shalt  }
0x6e: {  	_ =	shalt  }
0x6f: {  	_ =	shalt  }
0x70: {  	_ =	shalt  }
0x71: {  	_ =	shalt  }
0x72: {  	_ =	shalt  }
0x73: {  	_ =	shalt  }
0x74: {  	_ =	shalt  }
0x75: {  	_ =	shalt  }
0x76: {  	_ =	shalt  }
0x77: {  	_ =	shalt  }
0x78: {  	_ =	shalt  }
0x79: {  	_ =	shalt  }
0x7a: {  	_ =	shalt  }
0x7b: {  	_ =	shalt  }
0x7c: {  	_ =	shalt  }
0x7d: {  	_ =	shalt  }
0x7e: {  	_ =	shalt  }
0x7f: {  	_ =	shalt  }
0x80: {  	_ =	shalt  }
0x81: {  	_ =	shalt  }
0x82: {  	_ =	shalt  }
0x83: {  	_ =	shalt  }
0x84: {  	_ =	shalt  }
0x85: {  	_ =	shalt  }
0x86: {  	_ =	shalt  }
0x87: {  	_ =	shalt  }
.Lfunc_end0:
.L_simem_size_0:
called_computation_lowered:
.L_overlay_start_0:
0x88: {  	s2 =	sld [smem:$0x3FD9]  }
0x89: {  	s3 =	sld [smem:$0x3FFE];
	_ =	sdelay $0x1  }
0x8a: {  	s1 =	srdreg.scid  }
0x8b: {  	s0 =	sand.u32 $0x1, s1  }
0x8c: {  	s17 =	sshll.u32 s0, $0xA;
	s2 =	sadd.s32 s3, s2  }
0x8d: {  	s2 =	sadd.s32 s2, s17  }
0x8e: {  	[smem:$0x3FC3] =	sst s2  }
0x8f: {  	_ = 	snop  }
0x90: {  	s2 =	sld [smem:$0x3FD0];
	(tm) =	ssettm $0x1  }
0x91: {  	s18 =	sld [smem:$0x3FFB];
	_ =	sdelay $0x3  }
0x92: {  	_ =	strace s18  }
0x93: {  	s3 =	sld [smem:$0x3FFC];
	_ =	sdelay $0x3  }
0x94: {  	_ =	strace s3  }
0x95: {  	s3 =	sld [smem:$0x3FFD];
	_ =	sdelay $0x3  }
0x96: {  	_ =	strace s3  }
0x97: {  	_ =	strace $0x8FFFFFFF  }
0x98: {  	s19 =	sld [smem:$0x3FDB];
	_ =	sdelay $0x1  }
0x99: {  	s4 =	simm.s32 $_scs_section_size  }
0x9a: {  	s5 =	simm.s32 $_size__tile_overlayer_lowered;
	s6 =	simm.s32 $_tile_overlayer_lowered  }
0x9b: {  	s22 =	simm.s32 $0x1BFF;
	s21 =	sshll.u32 s6, $0x1;
	s3 =	sadd.s32 s4, s19  }
0x9c: {  	s7 =	simm.s32 $0x0;
	s20 =	sshll.u32 s5, $0x1;
	s5 =	sadd.s32 s21, s3  }
0x9d: {  	[timem:s7], [sflag:s22] =	dma.local [hbm:s5], s20  }
0x9e: {  	_ =	swait.ge [sflag:s22], s20  }
0x9f: {  	s4 =	ssub.s32 $0x0, s20;
	[sflag:s22] =	ssyncset.done $0x0  }
0xa0: {  	[sflag:s22] =	ssyncadd.s32 s4;
	_ =	sdelay $0x1  }
0xa1: {  	s23 =	simm.s32 $0x1B8B  }
0xa2: {  	_ =	swait.ge [sflag:s23], $0x1  }
0xa3: {  	[sflag:s23] =	ssyncset.done $0x0  }
0xa4: {  	s25 =	simm.s32 $0x1B8E;
	s24 =	sld [smem:$0x3FFE];
	[sflag:s23] =	ssyncadd.s32 $0xFFFFFFFF  }
0xa5: {  	s26 =	simm.s32 $execute0_lowered;
	[smem:$0x3FD2] =	sst s25  }
0xa6: {  	s5 =	sshll.u32 s26, $0x1;
	_ =	strace $0x80000046;
	[dreg:$0x1] =	wrdreg $0xFFFFFFFF  }
0xa7: {  	s28 =	simm.s32 $_size_execute0_lowered;
	s3 =	sadd.s32 s3, s5;
	[dreg:$0x0] =	wrdreg $0x0  }
0xa8: {  	s5 =	sshll.u32 s28, $0x1;
	[dreg:$0x2] =	wrdreg s3  }
0xa9: {  	[dreg:$0x3] =	wrdreg s5  }
0xaa: {  	[dreg:$0x4] =	wrdreg $0xC0  }
0xab: {  	_ =	task [dreg:s7], $0x5FFFF  }
0xac: {  	[dreg:$0x1] =	wrdreg $0xFFFFFFFF  }
0xad: {  	[dreg:$0x0] =	wrdreg $0x60  }
0xae: {  	[dreg:$0x2] =	wrdreg s24  }
0xaf: {  	[dreg:$0x3] =	wrdreg s2  }
0xb0: {  	[dreg:$0x4] =	wrdreg $0x97C00  }
0xb1: {  	[dreg:$0x5] =	wrdreg $0x9  }
0xb2: {  	_ =	task.clear_ibuf [dreg:s7], $0x6FFFF;
	_ =	strace $0x90000046  }
0xb3: {  	s29 =	simm.s32 $0x9;
	_ =	strace $0x80000048  }
0xb4: {  	_ =	swait.ge [sflag:s29], $0x1  }
0xb5: {  	[sflag:s29] =	ssyncadd.s32 $0xFFFFFFFF  }
0xb6: {  	_ =	strace $0x90000048  }
0xb7: {  	_ =	sfence  }
0xb8: {  	s30 =	sld [smem:$0x0];
	_ =	sdelay $0x2  }
0xb9: {  	s31 =	sshll.u32 s1, $0xD;
	s1 =	sshrl.u32 s1, $0x2  }
0xba: {  	s3 =	sand.u32 $0x4000, s31;
	s1 =	sadd.s32 s1, s30  }
0xbb: {  	s0 =	sor.u32 s3, s0;
	s1 =	sshll.u32 s1, $0x11  }
0xbc: {  	s0 =	sor.u32 s1, s0  }
0xbd: {  	s0 =	sadd.s32 $0x8F2B, s0  }
0xbe: {  	[sflag:s0] =	ssyncadd.remote.s32 $0x1  }
0xbf: {  	_ =	sfence.sel $0xFFFF  }
0xc0: {  	[dreg:$0x0] =	wrdreg $0xFFFFFFFF;
	(pc) =	sbr.abs _section_cstart, $3  }
0xc1: {  	[dreg:$0x1] =	wrdreg $0xFFFFFFFF  }
0xc2: {  	_ =	task.clear_ibuf [dreg:s7], $0x2FFFF;
	_ =	strace $0x9FFFFFFF  }
0xc3: {  	(tm) =	ssettm $0x7FFFFFFF  }
tec
execute0_lowered:
.L_overlay_start_1:
0x0: {  	(tag) =	ssettag $0x1  }
0x1: {  	s0 =	rddreg [dreg:$0x0]  }
0x2: {  	s3 =	rddreg [dreg:$0x1];
	s1 =	srdreg.scid  }
0x3: {  	s4 =	rddreg [dreg:$0x2];
	s2 =	stileid.u32  }
0x4: {  	s5 =	simm.s32 $0x0;
	s17 =	simm.s32 $0x2;
	s18 =	simm.s32 $0x2720  }
0x5: {  	s19 =	simm.s32 $0x4FC0;
	s20 =	simm.s32 $0x4E40;
	s21 =	simm.s32 $0x4EC0  }
0x6: {  	s22 =	simm.s32 $0x80;
	s23 =	simm.s32 $0x1;
	s24 =	simm.s32 $0x4F40  }
0x7: {  	s26 =	simm.s32 $0x0;
	s1 =	sand.u32 $0x1, s1;
	s13 =	smul.u32 $0x16020, s2  }
0x8: {  	[smem:$0x7FF] =	sst s5;
	s6 =	sadd.s32 $0xA200, s0;
	s10 =	smul.u32 $0x58080, s2  }
0x9: {  	s29 =	sadd.s32 $0x36A00, s0;
	s14 =	sshll.u32 s2, $0x1;
	s7 =	smul.u32 $0x160200, s1  }
0xa: {  	_ =	strace $0x80000047;
	[dreg:$0x4] =	wrdreg s29;
	s30 =	ssub.s32 $0x2, s1  }
0xb: {  	s1 =	sor.u32 s1, s14;
	s11 =	sshrl.u32 s30, $0x1;
	s10 =	sshrl.u32 s10, $0x2  }
0xc: {  	s31 =	sadd.s32 s13, s4;
	s8 =	sadd.s32 s13, s7;
	s15 =	ssub.s32 s30, s11  }
0xd: {  	s11 =	smul.u32 $0x2880, s1;
	s25 =	sshrl.u32 s31, $0x3;
	s9 =	sshrl.u32 s8, $0x3  }
0xe: {  	s8 =	sadd.s32 $0x36400, s0;
	s12 =	sadd.s32 s9, s0;
	s9 =	sadd.s32 s10, s4  }
0xf: {  	s13 =	smax.u32 s15, $0x1;
	s10 =	sadd.s32 $0x12000, s9;
	s12 =	sadd.s32 $0x37000, s12  }
0x10: {  	v0 =	vimm.f32 $0.0e+00;
	s14 =	sadd.s32 $0x4800, s9;
	s15 =	sadd.s32 $0x9000, s9;
	s16 =	sadd.s32 $0xD800, s9  }
.LBB2_1:
0x11: {  	s1 =	rddreg [dreg:$0x4]  }
0x12: {  	[tilespmem:s5], [sflag:$0x2] =	stream.linear.gather [hbm4b:s1+s5], $0x2720, $0x38;
	[tilespmem:$0x1F7E0] =	vst v63  }
0x13: {  	_ =	swait.ge [sflag:s17], $0x2720  }
0x14: {  	[sflag:s17] =	ssyncset.done $0x0  }
0x15: {  	s31 =	smul.u32 $0xE38F, s5;
	[sflag:s17] =	ssyncadd.s32 $0xFFFFD8E0  }
0x16: {  	[tilespmem:s18], [sflag:$0x2] =	stream.linear.gather [hbm4b:s8+s5], $0x2720, $0x38;
	[tilespmem:$0x1F7E0] =	vst v63  }
0x17: {  	_ =	swait.ge [sflag:s17], $0x2720  }
0x18: {  	s29 =	simm.s32 $0x0;
	s28 =	sshrl.u32 s31, $0x13;
	[sflag:s17] =	ssyncset.done $0x0  }
0x19: {  	s1 =	simm.s32 $0x1;
	s30 =	smul.u32 $0x9, s28;
	[sflag:s17] =	ssyncadd.s32 $0xFFFFD8E0  }
.LBB2_2:
0x1a: {  	s31 =	smul.u32 $0xE38F, s1  }
0x1b: {  	s2 =	smov.u32 s1;
	s28 =	smul.u32 $0x240, s28;
	p0 =	sne.s32 s1, $0x47F  }
.Ltmp0:
0x1c: {  	s29 =	ssub.s32 s29, s30;
	(pc) =	sbr.rel @p0 .LBB2_2-.Ltmp0, $4  }
0x1d: {  	s1 =	sadd.s32 $0x1, s1;
	s29 =	sand.u32 $0xFFFF, s29  }
0x1e: {  	s30 =	sshrl.u32 s28, $0x2;
	s7 =	sshll.u32 s29, $0x4;
	s29 =	smov.u32 s2  }
0x1f: {  	s28 =	sshrl.u32 s31, $0x13;
	s2 =	sadd.s32 s7, s30  }
0x20: {  	s30 =	smul.u32 $0x9, s28;
	[tilespmem:s2+$0x4FC0] =	vst v0  }
0x21: {  	_ = 	snop  }
0x22: {  	s2 =	smul.u32 $0x240, s28;
	s1 =	ssub.s32 s29, s30  }
0x23: {  	s1 =	sand.u32 $0xFFFF, s1  }
0x24: {  	s2 =	sshrl.u32 s2, $0x2;
	s1 =	sshll.u32 s1, $0x4  }
0x25: {  	s1 =	sadd.s32 s1, s2  }
0x26: {  	[tilespmem:s1+$0x4FC0] =	vst v0  }
0x27: {  	[spmem:s9] =	stream.linear.scatter [tilespmem:s19], [sflag:$0x2], $0x4800, $0x38;
	[tilespmem:$0x1F7E0] =	vst v63  }
0x28: {  	_ =	swait.ge [sflag:s17], $0x4800  }
0x29: {  	[sflag:s17] =	ssyncset.done $0x0  }
0x2a: {  	[sflag:s17] =	ssyncadd.s32 $0xFFFFB800  }
0x2b: {  	[spmem:s14] =	stream.linear.scatter [tilespmem:s19], [sflag:$0x2], $0x4800, $0x38;
	[tilespmem:$0x1F7E0] =	vst v63  }
0x2c: {  	_ =	swait.ge [sflag:s17], $0x4800  }
0x2d: {  	[sflag:s17] =	ssyncset.done $0x0  }
0x2e: {  	[sflag:s17] =	ssyncadd.s32 $0xFFFFB800  }
0x2f: {  	[spmem:s15] =	stream.linear.scatter [tilespmem:s19], [sflag:$0x2], $0x4800, $0x38;
	[tilespmem:$0x1F7E0] =	vst v63  }
0x30: {  	_ =	swait.ge [sflag:s17], $0x4800  }
0x31: {  	[sflag:s17] =	ssyncset.done $0x0  }
0x32: {  	[sflag:s17] =	ssyncadd.s32 $0xFFFFB800  }
0x33: {  	[spmem:s16] =	stream.linear.scatter [tilespmem:s19], [sflag:$0x2], $0x4800, $0x38;
	[tilespmem:$0x1F7E0] =	vst v63  }
0x34: {  	_ =	swait.ge [sflag:s17], $0x4800  }
0x35: {  	[sflag:s17] =	ssyncset.done $0x0  }
0x36: {  	[sflag:s17] =	ssyncadd.s32 $0xFFFFB800  }
0x37: {  	[spmem:s10] =	stream.linear.scatter [tilespmem:s19], [sflag:$0x2], $0x4020, $0x38;
	[tilespmem:$0x1F7E0] =	vst v63  }
0x38: {  	_ =	swait.ge [sflag:s17], $0x4020  }
0x39: {  	[sflag:s17] =	ssyncset.done $0x0  }
0x3a: {  	[sflag:s17] =	ssyncadd.s32 $0xFFFFBFE0  }
0x3b: {  	s28 =	simm.s32 $0x0;
	s29 =	simm.s32 $0x0;
	[bflag:$0x0] =	sbarrier.arrive $0xFFFF  }
.LBB2_4:
0x3c: {  	s1 =	sshll.u32 s29, $0x7  }
0x3d: {  	s1 =	sadd.s32 s11, s1  }
0x3e: {  	s1 =	sshrl.u32 s1, $0x3  }
0x3f: {  	s2 =	sadd.s32 s3, s1  }
0x40: {  	[tilespmem:s20], [sflag:$0x2] =	stream.linear.gather [hbm4b:s2+s28], $0x80, $0x38;
	[tilespmem:$0x1F7E0] =	vst v63  }
0x41: {  	_ =	swait.ge [sflag:s17], $0x80  }
0x42: {  	[sflag:s17] =	ssyncset.done $0x0  }
0x43: {  	s1 =	sadd.s32 s0, s1;
	[sflag:s17] =	ssyncadd.s32 $0xFFFFFF80  }
0x44: {  	[tilespmem:s21], [sflag:$0x2] =	stream.linear.gather [hbm4b:s1+s28], $0x80, $0x38;
	[tilespmem:$0x1F7E0] =	vst v63  }
0x45: {  	_ =	swait.ge [sflag:s17], $0x80  }
0x46: {  	[sflag:s17] =	ssyncset.done $0x0  }
0x47: {  	[sflag:s17] =	ssyncadd.s32 $0xFFFFFF80  }
0x48: {  	[tilespmem:s19], [sflag:$0x1] =	stream.indirect.gather [hbm4b:s6+s22], $0x90, s20, s22, $0xb8;
	[tilespmem:$0x1F7E0] =	vst v63  }
0x49: {  	v1 =	vld [tilespmem:$0x4E40]  }
0x4a: {  	v2 =	vld [tilespmem:$0x4EC0];
	_ =	sdelay $0x6  }
0x4b: {  	v1 =	vld.idx.msk [tilespmem:v1+s28+$0x0], $0xffff  }
0x4c: {  	v2 =	vld.idx.msk [tilespmem:v2+s18+$0x0], $0xffff;
	_ =	sdelay $0x4  }
0x4d: {  	v1 =	vadd.f32 v2, v1;
	_ =	sdelay $0x1  }
0x4e: {  	v2 =	vmul.f32 $2.000000030e-01, v1;
	_ =	sdelay $0x1  }
0x4f: {  	v1 =	vmax.f32 v1, v2  }
0x50: {  	v1 =	vmul.f32 $1.442695020e+00, v1;
	_ =	sdelay $0x1  }
0x51: {  	(erf) = vpow2.f32 v1;
	_ =	sdelay $0x2  }
0x52: {  	v1 =	vld [tilespmem:$0x4E50]  }
0x53: {  	v2 =	vld [tilespmem:$0x4ED0];
	_ =	sdelay $0x4  }
0x54: {  	v3 =	vpop (erf)  }
0x55: {  	[tilespmem:$0x4F40] =	vst v3  }
0x56: {  	v1 =	vld.idx.msk [tilespmem:v1+s28+$0x0], $0xffff  }
0x57: {  	v2 =	vld.idx.msk [tilespmem:v2+s18+$0x0], $0xffff;
	_ =	sdelay $0x4  }
0x58: {  	v1 =	vadd.f32 v2, v1;
	_ =	sdelay $0x1  }
0x59: {  	v2 =	vmul.f32 $2.000000030e-01, v1;
	_ =	sdelay $0x1  }
0x5a: {  	v1 =	vmax.f32 v1, v2  }
0x5b: {  	v1 =	vmul.f32 $1.442695020e+00, v1;
	_ =	sdelay $0x1  }
0x5c: {  	(erf) = vpow2.f32 v1;
	_ =	sdelay $0x2  }
0x5d: {  	v1 =	vld [tilespmem:$0x4E60]  }
0x5e: {  	v2 =	vld [tilespmem:$0x4EE0];
	_ =	sdelay $0x4  }
0x5f: {  	v3 =	vpop (erf)  }
0x60: {  	[tilespmem:$0x4F50] =	vst v3  }
0x61: {  	v1 =	vld.idx.msk [tilespmem:v1+s28+$0x0], $0xffff  }
0x62: {  	v2 =	vld.idx.msk [tilespmem:v2+s18+$0x0], $0xffff;
	_ =	sdelay $0x4  }
0x63: {  	v1 =	vadd.f32 v2, v1;
	_ =	sdelay $0x1  }
0x64: {  	v2 =	vmul.f32 $2.000000030e-01, v1;
	_ =	sdelay $0x1  }
0x65: {  	v1 =	vmax.f32 v1, v2  }
0x66: {  	v1 =	vmul.f32 $1.442695020e+00, v1;
	_ =	sdelay $0x1  }
0x67: {  	(erf) = vpow2.f32 v1;
	_ =	sdelay $0x2  }
0x68: {  	v1 =	vld [tilespmem:$0x4E70]  }
0x69: {  	v2 =	vld [tilespmem:$0x4EF0];
	_ =	sdelay $0x4  }
0x6a: {  	v3 =	vpop (erf)  }
0x6b: {  	[tilespmem:$0x4F60] =	vst v3  }
0x6c: {  	v1 =	vld.idx.msk [tilespmem:v1+s28+$0x0], $0xffff  }
0x6d: {  	v2 =	vld.idx.msk [tilespmem:v2+s18+$0x0], $0xffff;
	_ =	sdelay $0x4  }
0x6e: {  	v1 =	vadd.f32 v2, v1;
	_ =	sdelay $0x1  }
0x6f: {  	v2 =	vmul.f32 $2.000000030e-01, v1;
	_ =	sdelay $0x1  }
0x70: {  	v1 =	vmax.f32 v1, v2  }
0x71: {  	v1 =	vmul.f32 $1.442695020e+00, v1;
	_ =	sdelay $0x1  }
0x72: {  	(erf) = vpow2.f32 v1;
	_ =	sdelay $0x2  }
0x73: {  	v1 =	vld [tilespmem:$0x4E80]  }
0x74: {  	v2 =	vld [tilespmem:$0x4F00];
	_ =	sdelay $0x4  }
0x75: {  	v3 =	vpop (erf)  }
0x76: {  	[tilespmem:$0x4F70] =	vst v3  }
0x77: {  	v1 =	vld.idx.msk [tilespmem:v1+s28+$0x0], $0xffff  }
0x78: {  	v2 =	vld.idx.msk [tilespmem:v2+s18+$0x0], $0xffff;
	_ =	sdelay $0x4  }
0x79: {  	v1 =	vadd.f32 v2, v1;
	_ =	sdelay $0x1  }
0x7a: {  	v2 =	vmul.f32 $2.000000030e-01, v1;
	_ =	sdelay $0x1  }
0x7b: {  	v1 =	vmax.f32 v1, v2  }
0x7c: {  	v1 =	vmul.f32 $1.442695020e+00, v1;
	_ =	sdelay $0x1  }
0x7d: {  	(erf) = vpow2.f32 v1;
	_ =	sdelay $0x2  }
0x7e: {  	v1 =	vld [tilespmem:$0x4E90]  }
0x7f: {  	v2 =	vld [tilespmem:$0x4F10];
	_ =	sdelay $0x4  }
0x80: {  	v3 =	vpop (erf)  }
0x81: {  	[tilespmem:$0x4F80] =	vst v3  }
0x82: {  	v1 =	vld.idx.msk [tilespmem:v1+s28+$0x0], $0xffff  }
0x83: {  	v2 =	vld.idx.msk [tilespmem:v2+s18+$0x0], $0xffff;
	_ =	sdelay $0x4  }
0x84: {  	v1 =	vadd.f32 v2, v1;
	_ =	sdelay $0x1  }
0x85: {  	v2 =	vmul.f32 $2.000000030e-01, v1;
	_ =	sdelay $0x1  }
0x86: {  	v1 =	vmax.f32 v1, v2  }
0x87: {  	v1 =	vmul.f32 $1.442695020e+00, v1;
	_ =	sdelay $0x1  }
0x88: {  	(erf) = vpow2.f32 v1;
	_ =	sdelay $0x2  }
0x89: {  	v1 =	vld [tilespmem:$0x4EA0]  }
0x8a: {  	v2 =	vld [tilespmem:$0x4F20];
	_ =	sdelay $0x4  }
0x8b: {  	v3 =	vpop (erf)  }
0x8c: {  	[tilespmem:$0x4F90] =	vst v3  }
0x8d: {  	v1 =	vld.idx.msk [tilespmem:v1+s28+$0x0], $0xffff  }
0x8e: {  	v2 =	vld.idx.msk [tilespmem:v2+s18+$0x0], $0xffff;
	_ =	sdelay $0x4  }
0x8f: {  	v1 =	vadd.f32 v2, v1;
	_ =	sdelay $0x1  }
0x90: {  	v2 =	vmul.f32 $2.000000030e-01, v1;
	_ =	sdelay $0x1  }
0x91: {  	v1 =	vmax.f32 v1, v2  }
0x92: {  	v1 =	vmul.f32 $1.442695020e+00, v1;
	_ =	sdelay $0x1  }
0x93: {  	(erf) = vpow2.f32 v1;
	_ =	sdelay $0x2  }
0x94: {  	v1 =	vld [tilespmem:$0x4EB0]  }
0x95: {  	v2 =	vld [tilespmem:$0x4F30];
	_ =	sdelay $0x4  }
0x96: {  	v3 =	vpop (erf)  }
0x97: {  	[tilespmem:$0x4FA0] =	vst v3  }
0x98: {  	v1 =	vld.idx.msk [tilespmem:v1+s28+$0x0], $0xffff  }
0x99: {  	v2 =	vld.idx.msk [tilespmem:v2+s18+$0x0], $0xffff;
	_ =	sdelay $0x4  }
0x9a: {  	v1 =	vadd.f32 v2, v1;
	_ =	sdelay $0x1  }
0x9b: {  	v2 =	vmul.f32 $2.000000030e-01, v1;
	_ =	sdelay $0x1  }
0x9c: {  	v1 =	vmax.f32 v1, v2  }
0x9d: {  	v1 =	vmul.f32 $1.442695020e+00, v1;
	_ =	sdelay $0x1  }
0x9e: {  	(erf) = vpow2.f32 v1;
	_ =	sdelay $0x8  }
0x9f: {  	v1 =	vpop (erf)  }
0xa0: {  	[tilespmem:$0x4FB0] =	vst v1  }
0xa1: {  	_ =	swait.ge [sflag:s23], $0x4800  }
0xa2: {  	[sflag:s23] =	ssyncset.done $0x0  }
0xa3: {  	s30 =	simm.s32 $0x5000;
	v1 =	vmov s28;
	[sflag:s23] =	ssyncadd.s32 $0xFFFFB800  }
0xa4: {  	v6 =	vld [tilespmem:s30+$0xFFFFFFC0]  }
0xa5: {  	v9 =	vld [tilespmem:s30+$0x30]  }
0xa6: {  	v7 =	vld [tilespmem:s30+$0x40]  }
0xa7: {  	v11 =	vld [tilespmem:s30+$0xFFFFFFE0]  }
0xa8: {  	v2 =	vld.idx.msk [tilespmem:v1+s24+$0x0], $0xffff  }
0xa9: {  	v3 =	vld [tilespmem:s30+$0x20]  }
0xaa: {  	v4 =	vld [tilespmem:s30+$0xFFFFFFD0]  }
0xab: {  	v5 =	vld [tilespmem:s30+$0x10]  }
0xac: {  	v1 =	vld [tilespmem:s30+$0xFFFFFFF0]  }
0xad: {  	v10 =	vmul.f32 v6, v2;
	v8 =	vmul.f32 v7, v2;
	v6 =	vld [tilespmem:s30+$0x0]  }
0xae: {  	s31 =	simm.s32 $0x1;
	s1 =	simm.s32 $0x5000;
	v7 =	vmul.f32 v11, v2;
	v9 =	vmul.f32 v9, v2  }
.LBB2_5:
0xaf: {  	p0 =	sne.s32 s31, $0x7F  }
0xb0: {  	[tilespmem:s30+$0xFFFFFFC0] =	vst v10;
	v4 =	vmul.f32 v4, v2;
	v3 =	vmul.f32 v3, v2;
	s1 =	sadd.s32 $0x90, s1;
	s2 =	smov.u32 s31;
	s31 =	sadd.s32 $0x1, s31  }
0xb1: {  	v10 =	vmul.f32 v1, v2;
	v1 =	vmul.f32 v5, v2;
	[tilespmem:s30+$0x40] =	vst v8  }
0xb2: {  	v2 =	vmul.f32 v6, v2;
	[tilespmem:s30+$0x30] =	vst v9  }
0xb3: {  	[tilespmem:s30+$0xFFFFFFE0] =	vst v7  }
0xb4: {  	v5 =	vmov s2;
	[tilespmem:s30+$0x10] =	vst v1  }
0xb5: {  	v1 =	vld [tilespmem:s1+$0xFFFFFFF0];
	[tilespmem:s30+$0x0] =	vst v2  }
0xb6: {  	v7 =	vld [tilespmem:s1+$0xFFFFFFC0];
	[tilespmem:s30+$0xFFFFFFF0] =	vst v10  }
0xb7: {  	v9 =	vld [tilespmem:s1+$0x30];
	[tilespmem:s30+$0x20] =	vst v3  }
0xb8: {  	v8 =	vld [tilespmem:s1+$0x40];
	[tilespmem:s30+$0xFFFFFFD0] =	vst v4;
	s30 =	smov.u32 s1  }
0xb9: {  	v2 =	vld.idx.msk [tilespmem:v5+s24+$0x0], $0xffff  }
0xba: {  	v11 =	vld [tilespmem:s1+$0xFFFFFFE0]  }
0xbb: {  	v3 =	vld [tilespmem:s1+$0x20]  }
.Ltmp1:
0xbc: {  	v4 =	vld [tilespmem:s1+$0xFFFFFFD0];
	(pc) =	sbr.rel @p0 .LBB2_5-.Ltmp1, $4  }
0xbd: {  	v5 =	vld [tilespmem:s1+$0x10]  }
0xbe: {  	v6 =	vld [tilespmem:s1+$0x0]  }
0xbf: {  	v10 =	vmul.f32 v7, v2;
	v8 =	vmul.f32 v8, v2  }
0xc0: {  	v9 =	vmul.f32 v9, v2;
	v7 =	vmul.f32 v11, v2  }
0xc1: {  	[tilespmem:s30+$0xFFFFFFC0] =	vst v10  }
0xc2: {  	[tilespmem:s30+$0x40] =	vst v8  }
0xc3: {  	v1 =	vmul.f32 v1, v2;
	[tilespmem:s30+$0x30] =	vst v9  }
0xc4: {  	v3 =	vmul.f32 v3, v2;
	[tilespmem:s30+$0xFFFFFFE0] =	vst v7  }
0xc5: {  	v5 =	vmul.f32 v5, v2;
	[tilespmem:s30+$0xFFFFFFF0] =	vst v1  }
0xc6: {  	v6 =	vmul.f32 v6, v2;
	[tilespmem:s30+$0x20] =	vst v3  }
0xc7: {  	s29 =	sadd.s32 $0x1, s29;
	v2 =	vmul.f32 v4, v2;
	[tilespmem:s30+$0x10] =	vst v5  }
0xc8: {  	p0 =	sne.s32 s29, $0x51;
	[tilespmem:s30+$0x0] =	vst v6  }
.Ltmp2:
0xc9: {  	[tilespmem:s30+$0xFFFFFFD0] =	vst v2;
	(pc) =	sbr.rel @p0 .LBB2_4-.Ltmp2, $4  }
0xca: {  	[spmem:s4] =	stream.indirect.scatter.add.f32 [tilespmem:s19], [sflag:$0x2], $0x90, s21, s22, $0xb8;
	[tilespmem:$0x1F7E0] =	vst v63  }
0xcb: {  	_ =	swait.ge [sflag:s17], $0x4800  }
0xcc: {  	[sflag:s17] =	ssyncset.done $0x0  }
0xcd: {  	[sflag:s17] =	ssyncadd.s32 $0xFFFFB800  }
0xce: {  	s1 =	stileid.u32;
	s26 =	sadd.s32 $0x1, s26  }
0xcf: {  	s1 =	sshll.u32 s1, $0x6;
	p0 =	sne.s32 s26, s13  }
.Ltmp3:
0xd0: {  	[bflag:$0x0] =	sbarrier.arrive $0xFFFF;
	s1 =	sor.u32 $0x1C02, s1;
	(pc) =	sbr.rel @p0 .LBB2_1-.Ltmp3, $4  }
0xd1: {  	[hbm:s12], [sflag:s1] =	dma.local [spmem:s25], $0x2C04  }
0xd2: {  	_ =	swait.ge [sflag:s17], $0x2C04  }
0xd3: {  	[sflag:s17] =	ssyncset.done $0x0  }
0xd4: {  	[sflag:s17] =	ssyncadd.s32 $0xFFFFD3FC  }
0xd5: {  	_ =	sfence.sel $0x180000  }
0xd6: {  	[bflag:$0x0] =	sbarrier.arrive $0xFFFF  }
0xd7: {  	_ =	strace $0x90000047  }
0xd8: {  	s0 =	stileid.u32;
	[bflag:$0x2] =	sbarrier.arrive $0xFFFF  }
0xd9: {  	p0 =	sne.s32 s0, $0x0;
	s0 =	rddreg [dreg:$0x3]  }
0xda: {  	s0 =	sadd.s32 @!p0 $0x100000, s0  }
0xdb: {  	[sflag:s0] =	ssyncadd.tile.s32 @!p0 $0x1;
	_ =	shalt  }
.Lfunc_end2:
_tile_overlayer_lowered:
.L_overlay_start_2:
0xdc: {  	(tag) =	ssettag $0x2  }
0xdd: {  	s0 =	rddreg [dreg:$0x0];
	s2 =	stileid.u32  }
0xde: {  	s1 =	rddreg [dreg:$0x1];
	p0 =	sne.s32 s2, $0x0  }
0xdf: {  	s3 =	rddreg [dreg:$0x2];
	[bflag:$0x3] =	sbarrier.arrive $0xFFFF;
	s2 =	simm.s32 @!p0 $0x1C02  }
0xe0: {  	[timem:s3], [sflag:s2] =	dma.local @!p0 [hbm:s0], s1  }
0xe1: {  	s0 =	simm.s32 @!p0 $0x2  }
0xe2: {  	_ =	swait.ge @!p0 [sflag:s0], s1  }
0xe3: {  	s1 =	ssub.s32 @!p0 $0x0, s1;
	[sflag:s0] =	ssyncset.done @!p0 $0x0  }
0xe4: {  	[sflag:s0] =	ssyncadd.s32 @!p0 s1  }
0xe5: {  	[bflag:$0x3] =	sbarrier.arrive $0xFFFF  }
0xe6: {  	_ =	shalt  }

</sc_bundles>
